<compile_context>
chip_gen: v7x
topology: tpu7x:2x2x1
jax: 0.10.2.dev20260603
libtpu: 0.0.44.dev20260713+nightly
codegen_flags: <defaults>
</compile_context>

<pallas_src>
import functools

import jax
import jax.numpy as jnp
from jax import lax
from jax.experimental import pallas as pl
from jax.experimental.pallas import tpu as pltpu
from jax.experimental.pallas import tpu_sc as plsc

WS = 64
NW = 32
L = 16
OG = 8


def _scalar_at(ref, j):
    b = plsc.load_gather(ref, [jnp.full((L,), j, jnp.int32)])
    return jnp.squeeze(lax.slice(b, (0,), (1,)))


def _sc_body(D, WPW, CAP,
             feats_hbm, meta_hbm, coef_hbm, ptab_hbm,
             out_hbm,
             meta_v, coef_v, ptab_v, outbuf_v, win_v,
             sem_w, sem_out):
    nsl = D // L
    WSD = WS * D
    wid = lax.axis_index("c") * 16 + lax.axis_index("s")
    base = wid * WPW
    pltpu.sync_copy(meta_hbm.at[pl.ds(base, WPW)], meta_v)
    pltpu.sync_copy(coef_hbm.at[pl.ds(base, WPW)], coef_v)
    pltpu.sync_copy(ptab_hbm, ptab_v)

    zero16 = jnp.zeros((L,), jnp.float32)

    def win_src(p):
        off = pl.multiple_of(p * D, 8)
        return feats_hbm.at[pl.ds(off, WSD)]

    def win_dst(h):
        off = pl.multiple_of(h * WSD, 8)
        return win_v.at[pl.ds(off, WSD)]

    def fire(p, h):
        pltpu.async_copy(win_src(p), win_dst(h), sem_w)

    def wait_inflight(p, h):
        pltpu.make_async_copy(win_src(p), win_dst(h), sem_w).wait()

    fire(jnp.int32(0), jnp.int32(1))
    state0 = (jnp.int32(-2 * WS), jnp.int32(0), jnp.int32(0))

    ngroups = WPW // OG

    def group(g, st):
        jbase = g * OG

        @pl.when(g > 0)
        def _wait_out():
            prev = pl.multiple_of((base + jbase - OG) * D, 8)
            pltpu.make_async_copy(outbuf_v, out_hbm.at[pl.ds(prev, OG * D)],
                                  sem_out).wait()

        def word(j2, wst):
            j = jbase + j2
            jfull = jnp.full((L,), j, jnp.int32)
            meta = _scalar_at(meta_v, j)
            cfv = plsc.load_gather(coef_v, [jfull])
            gb = meta & jnp.int32(0x7FFF)
            n = lax.shift_right_logical(meta, 15) & jnp.int32(0xFFF)
            p = lax.shift_right_logical(meta, 27) & jnp.int32(0x1F)
            hi = gb + n

            def cond(s):
                return s[0] < hi

            def body(s):
                g_, wa, half, pwa, acc = s
                inw = (g_ >= wa) & (g_ < wa + WS)

                def consume():
                    r1 = jnp.minimum(hi - wa, WS)
                    rb = half * WSD

                    def row(r, a):
                        roff = rb + r * D
                        return tuple(a[v] + win_v[pl.ds(roff + v * L, L)]
                                     for v in range(nsl))

                    acc2 = lax.fori_loop(g_ - wa, r1, row, acc)
                    return (wa + r1, wa, half, pwa, acc2)

                def advance():
                    useb = (pwa > wa) & (g_ >= pwa) & (g_ < pwa + WS)

                    def switchb():
                        wait_inflight(pwa, 1 - half)
                        np_ = jnp.minimum(pwa + WS, CAP)
                        fire(np_, half)
                        return (g_, pwa, 1 - half, np_, acc)

                    def resync():
                        wait_inflight(pwa, 1 - half)
                        na = jnp.minimum(g_, CAP)
                        pltpu.sync_copy(win_src(na), win_dst(1 - half))
                        np_ = jnp.minimum(na + WS, CAP)
                        fire(np_, half)
                        return (g_, na, 1 - half, np_, acc)

                    return lax.cond(useb, switchb, resync)

                return lax.cond(inw, consume, advance)

            res = lax.while_loop(cond, body, (gb,) + wst + ((zero16,) * nsl,))
            wst = res[1:4]
            acc = res[4]

            pbase = p * D
            obase = j2 * D
            res_ = [acc[v] * cfv + ptab_v[pl.ds(pbase + v * L, L)]
                    for v in range(nsl)]
            for v in range(nsl):
                outbuf_v[pl.ds(obase + v * L, L)] = res_[v]
            return wst

        st = lax.fori_loop(0, OG, word, st)

        ob = pl.multiple_of((base + jbase) * D, 8)
        pltpu.async_copy(outbuf_v, out_hbm.at[pl.ds(ob, OG * D)], sem_out)
        return st

    wa, half, pwa = lax.fori_loop(0, ngroups, group, state0)

    last = pl.multiple_of((base + WPW - OG) * D, 8)
    pltpu.make_async_copy(outbuf_v, out_hbm.at[pl.ds(last, OG * D)],
                          sem_out).wait()
    wait_inflight(pwa, 1 - half)


def kernel(feats, word_lens, seq_len, pos, pos_table):
    B, S, D = feats.shape
    W = word_lens.shape[1]
    PV = pos_table.shape[0]
    WPW = (B * W) // NW

    wl = word_lens.astype(jnp.int32)
    nxt = jnp.concatenate([wl[:, 1:], jnp.zeros((B, 1), jnp.int32)], axis=1)
    end = jnp.where(nxt == 0, seq_len[:, None].astype(jnp.int32), nxt)
    start = jnp.clip(wl, 0, S)
    end = jnp.clip(end, 0, S)
    lo = jnp.minimum(start, end)
    n = jnp.maximum(start, end) - lo
    jidx = jnp.arange(W, dtype=jnp.int32)[None, :]
    valid = ~((wl == 0) & (jidx != 0))
    coef = jnp.where(end > start,
                     1.0 / jnp.maximum(end - start, 1).astype(jnp.float32),
                     jnp.float32(-1))
    coef = jnp.where(valid, coef, 0.0).astype(jnp.float32)

    ibase = (jnp.arange(B, dtype=jnp.int32) * S)[:, None]
    gb = (lo + ibase).reshape(-1)
    nf = jnp.where(valid, n, 0).reshape(-1)
    cf = coef.reshape(-1)
    pf = pos.reshape(-1).astype(jnp.int32)
    meta = gb | (nf << 15) | (pf << 27)
    feats_flat = feats.reshape(B * S * D)
    ptab_flat = pos_table.reshape(PV * D)

    mesh = plsc.VectorSubcoreMesh(core_axis_name="c", subcore_axis_name="s",
                                  num_cores=2, num_subcores=16)
    fn = functools.partial(
        pl.kernel,
        out_type=jax.ShapeDtypeStruct((B * W * D,), jnp.float32),
        mesh=mesh,
        compiler_params=pltpu.CompilerParams(needs_layout_passes=False),
        scratch_types=[
            pltpu.VMEM((WPW,), jnp.int32),
            pltpu.VMEM((WPW,), jnp.float32),
            pltpu.VMEM((PV * D,), jnp.float32),
            pltpu.VMEM((OG * D,), jnp.float32),
            pltpu.VMEM((2 * WS * D,), jnp.float32),
            pltpu.SemaphoreType.DMA,
            pltpu.SemaphoreType.DMA,
        ],
    )(functools.partial(_sc_body, D, WPW, B * S - WS))
    out = fn(feats_flat, meta, cf, ptab_flat)
    return out.reshape(B, W, D)

# --- scband reference (transcript-rebuilt; emitter-appended) ---
"""Pipeline reference for scband-char-model-86517821212099 (READ-ONLY COPY).

The authoritative reference and input builder live on the scoring server;
editing this copy changes nothing except your own understanding.
"""

import jax, jax.numpy as jnp
import numpy as np

B, S, W, D, PV = 16, 2048, 512, 768, 32


def setup_inputs(seed: int = 0) -> dict:
    key = jax.random.key(seed)
    k1, k2, k3, k4, k5 = jax.random.split(key, 5)
    feats = jax.random.normal(k1, (B, S, D), dtype=jnp.float32)
    # word start offsets per sentence (ragged span boundaries), sorted, first word starts at 0
    word_lens = jnp.sort(jax.random.randint(k2, (B, W), 0, S), axis=1)
    word_lens = word_lens.at[:, 0].set(0)
    # true char lengths of each sentence
    seq_len = jax.random.randint(k3, (B,), S // 2, S)
    pos = jax.random.randint(k4, (B, W), 0, PV)
    # learned POS embedding table (nn.Embedding(len(pos_vocab), embedding_dim))
    pos_table = jax.random.normal(k5, (PV, D), dtype=jnp.float32) * 0.02
    return {"feats": feats, "word_lens": word_lens, "seq_len": seq_len, "pos": pos, "pos_table": pos_table}


def reference(feats, word_lens, seq_len, pos, pos_table):
    # Faithful vectorized translation of CharModel._generate_embedding (use_average=True,
    # use_pos_embedding=True): for each word j in sample i, average the char features
    # feats[i, word_lens[i,j] : next_start) where next_start is word_lens[i,j+1] (or seq_len[i]
    # when j is the last word / next start is padding 0), then add pos embedding.
    B_, S_, D_ = feats.shape
    W_ = word_lens.shape[1]
    # prefix sums over the char axis for O(1) span means
    prefix = jnp.concatenate([jnp.zeros((B_, 1, D_), feats.dtype), jnp.cumsum(feats, axis=1)], axis=1)
    next_start = jnp.concatenate([word_lens[:, 1:], jnp.zeros((B_, 1), word_lens.dtype)], axis=1)
    end = jnp.where(next_start == 0, seq_len[:, None], next_start)
    start = jnp.clip(word_lens, 0, S_)
    end = jnp.clip(end, 0, S_)
    seg_sum = (jnp.take_along_axis(prefix, end[..., None], axis=1)
               - jnp.take_along_axis(prefix, start[..., None], axis=1))
    count = jnp.maximum(end - start, 1).astype(feats.dtype)[..., None]
    mean = seg_sum / count
    # padded word slots (word_lens==0 for j!=0) produce zeros in the torch loop
    j_idx = jnp.arange(W_)[None, :]
    valid = ~((word_lens == 0) & (j_idx != 0))
    new_feats = jnp.where(valid[..., None], mean, jnp.zeros_like(mean))
    # pos embedding lookup (SparseCore gather)
    new_feats = new_feats + jnp.take(pos_table, pos, axis=0)
    return new_feats

if __name__ == "__main__":
    import jax
    _d = setup_inputs()
    print(jax.jit(kernel)(*tuple(_d.values())))

</pallas_src>

<mosaic_0001>
#map = affine_map<(d0, d1) -> (0)>
module attributes {stable_mosaic.version = 14 : i64} {
  func.func @_sc_body(%arg0: i32, %arg1: i32, %arg2: memref<25165824xf32, #tpu.memory_space<hbm>>, %arg3: memref<8192xi32, #tpu.memory_space<hbm>>, %arg4: memref<8192xf32, #tpu.memory_space<hbm>>, %arg5: memref<24576xf32, #tpu.memory_space<hbm>>, %arg6: memref<6291456xf32, #tpu.memory_space<hbm>>, %arg7: memref<256xi32, #tpu.memory_space<vmem>>, %arg8: memref<256xf32, #tpu.memory_space<vmem>>, %arg9: memref<24576xf32, #tpu.memory_space<vmem>>, %arg10: memref<6144xf32, #tpu.memory_space<vmem>>, %arg11: memref<98304xf32, #tpu.memory_space<vmem>>, %arg12: memref<!tpu.dma_semaphore, #tpu.memory_space<semaphore_mem>>, %arg13: memref<!tpu.dma_semaphore, #tpu.memory_space<semaphore_mem>>) attributes {dimension_semantics = [#tpu.dimension_semantics<core_parallel>, #tpu.dimension_semantics<subcore_parallel>], iteration_bounds = array<i64: 2, 16>, scalar_prefetch = 0 : i64, scratch_operands = 7 : i64, tpu.core_type = #tpu.core_type<sc_vector_subcore>, window_params = [{transform_indices = #map}, {transform_indices = #map}, {transform_indices = #map}, {transform_indices = #map}, {transform_indices = #map}]} {
    %mul3A = arith.constant 16 : i32
    %mul3A_0 = arith.muli %arg0, %mul3A : i32
    %add3A = arith.addi %mul3A_0, %arg1 : i32
    %mul3A_1 = arith.constant 256 : i32
    %mul3A_2 = arith.muli %add3A, %mul3A_1 : i32
    "tpu.region"() ({
      %run_scoped3A = tpu.sem_alloc : memref<!tpu.dma_semaphore, #tpu.memory_space<semaphore_mem>>
      %dma_start3A_41 = tpu.memref_slice %arg3[%mul3A_2] : memref<8192xi32, #tpu.memory_space<hbm>> -> memref<256xi32, #tpu.memory_space<hbm>>
      %dma_start3A_42 = tpu.memref_slice %arg3[%mul3A_2] : memref<8192xi32, #tpu.memory_space<hbm>> -> memref<256xi32, #tpu.memory_space<hbm>>
      tpu.enqueue_dma source(%dma_start3A_42 : memref<256xi32, #tpu.memory_space<hbm>>) target(%arg7 : memref<256xi32, #tpu.memory_space<vmem>>) target_semaphore(%run_scoped3A : memref<!tpu.dma_semaphore, #tpu.memory_space<semaphore_mem>>)
      %dma_wait3A_43 = tpu.memref_slice %arg3[%mul3A_2] : memref<8192xi32, #tpu.memory_space<hbm>> -> memref<256xi32, #tpu.memory_space<hbm>>
      %dma_wait3A_44 = tpu.memref_slice %arg3[%mul3A_2] : memref<8192xi32, #tpu.memory_space<hbm>> -> memref<256xi32, #tpu.memory_space<hbm>>
      tpu.wait_dma2 semaphore(%run_scoped3A : memref<!tpu.dma_semaphore, #tpu.memory_space<semaphore_mem>>) src(%dma_wait3A_44 : memref<256xi32, #tpu.memory_space<hbm>>) dst(%arg7 : memref<256xi32, #tpu.memory_space<vmem>>)
      tpu.yield
    }) : () -> ()
    "tpu.region"() ({
      %run_scoped3A = tpu.sem_alloc : memref<!tpu.dma_semaphore, #tpu.memory_space<semaphore_mem>>
      %dma_start3A_41 = tpu.memref_slice %arg4[%mul3A_2] : memref<8192xf32, #tpu.memory_space<hbm>> -> memref<256xf32, #tpu.memory_space<hbm>>
      %dma_start3A_42 = tpu.memref_slice %arg4[%mul3A_2] : memref<8192xf32, #tpu.memory_space<hbm>> -> memref<256xf32, #tpu.memory_space<hbm>>
      tpu.enqueue_dma source(%dma_start3A_42 : memref<256xf32, #tpu.memory_space<hbm>>) target(%arg8 : memref<256xf32, #tpu.memory_space<vmem>>) target_semaphore(%run_scoped3A : memref<!tpu.dma_semaphore, #tpu.memory_space<semaphore_mem>>)
      %dma_wait3A_43 = tpu.memref_slice %arg4[%mul3A_2] : memref<8192xf32, #tpu.memory_space<hbm>> -> memref<256xf32, #tpu.memory_space<hbm>>
      %dma_wait3A_44 = tpu.memref_slice %arg4[%mul3A_2] : memref<8192xf32, #tpu.memory_space<hbm>> -> memref<256xf32, #tpu.memory_space<hbm>>
      tpu.wait_dma2 semaphore(%run_scoped3A : memref<!tpu.dma_semaphore, #tpu.memory_space<semaphore_mem>>) src(%dma_wait3A_44 : memref<256xf32, #tpu.memory_space<hbm>>) dst(%arg8 : memref<256xf32, #tpu.memory_space<vmem>>)
      tpu.yield
    }) : () -> ()
    "tpu.region"() ({
      %run_scoped3A = tpu.sem_alloc : memref<!tpu.dma_semaphore, #tpu.memory_space<semaphore_mem>>
      tpu.enqueue_dma source(%arg5 : memref<24576xf32, #tpu.memory_space<hbm>>) target(%arg9 : memref<24576xf32, #tpu.memory_space<vmem>>) target_semaphore(%run_scoped3A : memref<!tpu.dma_semaphore, #tpu.memory_space<semaphore_mem>>)
      tpu.wait_dma2 semaphore(%run_scoped3A : memref<!tpu.dma_semaphore, #tpu.memory_space<semaphore_mem>>) src(%arg5 : memref<24576xf32, #tpu.memory_space<hbm>>) dst(%arg9 : memref<24576xf32, #tpu.memory_space<vmem>>)
      tpu.yield
    }) : () -> ()
    %broadcast_in_dim3A = arith.constant 0.000000e+00 : f32
    %broadcast_in_dim3A_3 = vector.broadcast %broadcast_in_dim3A : f32 to vector<16xf32>
    %mul3A_4 = arith.constant 0 : i32
    %mul3A_5 = arith.constant 768 : i32
    %mul3A_6 = arith.muli %mul3A_4, %mul3A_5 : i32
    %multiple_of3A = tpu.assume_multiple %mul3A_6, 8 : i32
    %mul3A_7 = arith.constant 1 : i32
    %mul3A_8 = arith.constant 49152 : i32
    %mul3A_9 = arith.muli %mul3A_7, %mul3A_8 : i32
    %multiple_of3A_10 = tpu.assume_multiple %mul3A_9, 8 : i32
    %dma_start3A = tpu.memref_slice %arg11[%multiple_of3A_10] : memref<98304xf32, #tpu.memory_space<vmem>> -> memref<49152xf32, #tpu.memory_space<vmem>>
    %dma_start3A_11 = tpu.memref_slice %arg2[%multiple_of3A] : memref<25165824xf32, #tpu.memory_space<hbm>> -> memref<49152xf32, #tpu.memory_space<hbm>>
    %dma_start3A_12 = tpu.memref_slice %arg11[%multiple_of3A_10] : memref<98304xf32, #tpu.memory_space<vmem>> -> memref<49152xf32, #tpu.memory_space<vmem>>
    %dma_start3A_13 = tpu.memref_slice %arg2[%multiple_of3A] : memref<25165824xf32, #tpu.memory_space<hbm>> -> memref<49152xf32, #tpu.memory_space<hbm>>
    tpu.enqueue_dma source(%dma_start3A_13 : memref<49152xf32, #tpu.memory_space<hbm>>) target(%dma_start3A_12 : memref<49152xf32, #tpu.memory_space<vmem>>) target_semaphore(%arg12 : memref<!tpu.dma_semaphore, #tpu.memory_space<semaphore_mem>>)
    %scan3A = arith.constant -128 : i32
    %scan3A_14 = arith.constant 0 : i32
    %scan3A_15 = arith.constant 0 : i32
    %scan3A_16 = arith.constant 0 : i32
    %scan3A_17 = arith.constant 32 : i32
    %scan3A_18 = arith.addi %scan3A_16, %scan3A_17 : i32
    %scan3A_19 = arith.constant 1 : i32
    %scan3A_20:3 = scf.for %scan3A_41 = %scan3A_16 to %scan3A_18 step %scan3A_19 iter_args(%scan3A_42 = %scan3A, %scan3A_43 = %scan3A_14, %scan3A_44 = %scan3A_15) -> (i32, i32, i32)  : i32 {
      %mul3A_45 = arith.constant 8 : i32
      %mul3A_46 = arith.muli %scan3A_41, %mul3A_45 : i32
      %gt3A = arith.constant 0 : i32
      %gt3A_47 = arith.cmpi sgt, %scan3A_41, %gt3A : i32
      %convert_element_type3A = arith.extui %gt3A_47 : i1 to i32
      %cond3A = arith.constant 0 : i32
      %cond3A_48 = arith.cmpi ne, %convert_element_type3A, %cond3A : i32
      scf.if %cond3A_48 {
        %add3A_61 = arith.addi %mul3A_2, %mul3A_46 : i32
        %sub3A_62 = arith.constant 8 : i32
        %sub3A_63 = arith.subi %add3A_61, %sub3A_62 : i32
        %mul3A_64 = arith.constant 768 : i32
        %mul3A_65 = arith.muli %sub3A_63, %mul3A_64 : i32
        %multiple_of3A_66 = tpu.assume_multiple %mul3A_65, 8 : i32
        %dma_wait3A_67 = tpu.memref_slice %arg6[%multiple_of3A_66] : memref<6291456xf32, #tpu.memory_space<hbm>> -> memref<6144xf32, #tpu.memory_space<hbm>>
        %dma_wait3A_68 = tpu.memref_slice %arg6[%multiple_of3A_66] : memref<6291456xf32, #tpu.memory_space<hbm>> -> memref<6144xf32, #tpu.memory_space<hbm>>
        tpu.wait_dma2 semaphore(%arg13 : memref<!tpu.dma_semaphore, #tpu.memory_space<semaphore_mem>>) src(%arg10 : memref<6144xf32, #tpu.memory_space<vmem>>) dst(%dma_wait3A_68 : memref<6144xf32, #tpu.memory_space<hbm>>)
      } else {
      }
      %scan3A_49 = arith.constant 0 : i32
      %scan3A_50 = arith.constant 8 : i32
      %scan3A_51 = arith.addi %scan3A_49, %scan3A_50 : i32
      %scan3A_52 = arith.constant 1 : i32
      %scan3A_53:3 = scf.for %scan3A_61 = %scan3A_49 to %scan3A_51 step %scan3A_52 iter_args(%scan3A_62 = %scan3A_42, %scan3A_63 = %scan3A_43, %scan3A_64 = %scan3A_44) -> (i32, i32, i32)  : i32 {
        %add3A_65 = arith.addi %mul3A_46, %scan3A_61 : i32
        %broadcast_in_dim3A_66 = vector.broadcast %add3A_65 : i32 to vector<16xi32>
        %broadcast_in_dim3A_67 = vector.broadcast %add3A_65 : i32 to vector<16xi32>
        %gather3A = tpu.vector_load_idx %arg7[%broadcast_in_dim3A_67] : memref<256xi32, #tpu.memory_space<vmem>>[vector<16xi32>], vector<16xi32>,
        %slice3A = vector.extract_strided_slice %gather3A {offsets = [0], sizes = [1], strides = [1]} : vector<16xi32> to vector<1xi32>
        %squeeze3A = vector.extract %slice3A[0] : i32 from vector<1xi32>
        %gather3A_68 = tpu.vector_load_idx %arg8[%broadcast_in_dim3A_66] : memref<256xf32, #tpu.memory_space<vmem>>[vector<16xi32>], vector<16xf32>,
        %and3A = arith.constant 32767 : i32
        %and3A_69 = arith.andi %squeeze3A, %and3A : i32
        %shift_right_logical3A = arith.constant 15 : i32
        %shift_right_logical3A_70 = arith.shrui %squeeze3A, %shift_right_logical3A : i32
        %and3A_71 = arith.constant 4095 : i32
        %and3A_72 = arith.andi %shift_right_logical3A_70, %and3A_71 : i32
        %shift_right_logical3A_73 = arith.constant 27 : i32
        %shift_right_logical3A_74 = arith.shrui %squeeze3A, %shift_right_logical3A_73 : i32
        %and3A_75 = arith.constant 31 : i32
        %and3A_76 = arith.andi %shift_right_logical3A_74, %and3A_75 : i32
        %add3A_77 = arith.addi %and3A_69, %and3A_72 : i32
        %while3A:52 = scf.while (%while3A_560 = %and3A_69, %while3A_561 = %scan3A_62, %while3A_562 = %scan3A_63, %while3A_563 = %scan3A_64, %while3A_564 = %broadcast_in_dim3A_3, %while3A_565 = %broadcast_in_dim3A_3, %while3A_566 = %broadcast_in_dim3A_3, %while3A_567 = %broadcast_in_dim3A_3, %while3A_568 = %broadcast_in_dim3A_3, %while3A_569 = %broadcast_in_dim3A_3, %while3A_570 = %broadcast_in_dim3A_3, %while3A_571 = %broadcast_in_dim3A_3, %while3A_572 = %broadcast_in_dim3A_3, %while3A_573 = %broadcast_in_dim3A_3, %while3A_574 = %broadcast_in_dim3A_3, %while3A_575 = %broadcast_in_dim3A_3, %while3A_576 = %broadcast_in_dim3A_3, %while3A_577 = %broadcast_in_dim3A_3, %while3A_578 = %broadcast_in_dim3A_3, %while3A_579 = %broadcast_in_dim3A_3, %while3A_580 = %broadcast_in_dim3A_3, %while3A_581 = %broadcast_in_dim3A_3, %while3A_582 = %broadcast_in_dim3A_3, %while3A_583 = %broadcast_in_dim3A_3, %while3A_584 = %broadcast_in_dim3A_3, %while3A_585 = %broadcast_in_dim3A_3, %while3A_586 = %broadcast_in_dim3A_3, %while3A_587 = %broadcast_in_dim3A_3, %while3A_588 = %broadcast_in_dim3A_3, %while3A_589 = %broadcast_in_dim3A_3, %while3A_590 = %broadcast_in_dim3A_3, %while3A_591 = %broadcast_in_dim3A_3, %while3A_592 = %broadcast_in_dim3A_3, %while3A_593 = %broadcast_in_dim3A_3, %while3A_594 = %broadcast_in_dim3A_3, %while3A_595 = %broadcast_in_dim3A_3, %while3A_596 = %broadcast_in_dim3A_3, %while3A_597 = %broadcast_in_dim3A_3, %while3A_598 = %broadcast_in_dim3A_3, %while3A_599 = %broadcast_in_dim3A_3, %while3A_600 = %broadcast_in_dim3A_3, %while3A_601 = %broadcast_in_dim3A_3, %while3A_602 = %broadcast_in_dim3A_3, %while3A_603 = %broadcast_in_dim3A_3, %while3A_604 = %broadcast_in_dim3A_3, %while3A_605 = %broadcast_in_dim3A_3, %while3A_606 = %broadcast_in_dim3A_3, %while3A_607 = %broadcast_in_dim3A_3, %while3A_608 = %broadcast_in_dim3A_3, %while3A_609 = %broadcast_in_dim3A_3, %while3A_610 = %broadcast_in_dim3A_3, %while3A_611 = %broadcast_in_dim3A_3) : (i32, i32, i32, i32, vector<16xf32>, vector<16xf32>, vector<16xf32>, vector<16xf32>, vector<16xf32>, vector<16xf32>, vector<16xf32>, vector<16xf32>, vector<16xf32>, vector<16xf32>, vector<16xf32>, vector<16xf32>, vector<16xf32>, vector<16xf32>, vector<16xf32>, vector<16xf32>, vector<16xf32>, vector<16xf32>, vector<16xf32>, vector<16xf32>, vector<16xf32>, vector<16xf32>, vector<16xf32>, vector<16xf32>, vector<16xf32>, vector<16xf32>, vector<16xf32>, vector<16xf32>, vector<16xf32>, vector<16xf32>, vector<16xf32>, vector<16xf32>, vector<16xf32>, vector<16xf32>, vector<16xf32>, vector<16xf32>, vector<16xf32>, vector<16xf32>, vector<16xf32>, vector<16xf32>, vector<16xf32>, vector<16xf32>, vector<16xf32>, vector<16xf32>, vector<16xf32>, vector<16xf32>, vector<16xf32>, vector<16xf32>) -> (i32, i32, i32, i32, vector<16xf32>, vector<16xf32>, vector<16xf32>, vector<16xf32>, vector<16xf32>, vector<16xf32>, vector<16xf32>, vector<16xf32>, vector<16xf32>, vector<16xf32>, vector<16xf32>, vector<16xf32>, vector<16xf32>, vector<16xf32>, vector<16xf32>, vector<16xf32>, vector<16xf32>, vector<16xf32>, vector<16xf32>, vector<16xf32>, vector<16xf32>, vector<16xf32>, vector<16xf32>, vector<16xf32>, vector<16xf32>, vector<16xf32>, vector<16xf32>, vector<16xf32>, vector<16xf32>, vector<16xf32>, vector<16xf32>, vector<16xf32>, vector<16xf32>, vector<16xf32>, vector<16xf32>, vector<16xf32>, vector<16xf32>, vector<16xf32>, vector<16xf32>, vector<16xf32>, vector<16xf32>, vector<16xf32>, vector<16xf32>, vector<16xf32>, vector<16xf32>, vector<16xf32>, vector<16xf32>, vector<16xf32>) {
          %lt3A = arith.cmpi slt, %while3A_560, %add3A_77 : i32
          scf.condition(%lt3A) %while3A_560, %while3A_561, %while3A_562, %while3A_563, %while3A_564, %while3A_565, %while3A_566, %while3A_567, %while3A_568, %while3A_569, %while3A_570, %while3A_571, %while3A_572, %while3A_573, %while3A_574, %while3A_575, %while3A_576, %while3A_577, %while3A_578, %while3A_579, %while3A_580, %while3A_581, %while3A_582, %while3A_583, %while3A_584, %while3A_585, %while3A_586, %while3A_587, %while3A_588, %while3A_589, %while3A_590, %while3A_591, %while3A_592, %while3A_593, %while3A_594, %while3A_595, %while3A_596, %while3A_597, %while3A_598, %while3A_599, %while3A_600, %while3A_601, %while3A_602, %while3A_603, %while3A_604, %while3A_605, %while3A_606, %while3A_607, %while3A_608, %while3A_609, %while3A_610, %while3A_611 : i32, i32, i32, i32, vector<16xf32>, vector<16xf32>, vector<16xf32>, vector<16xf32>, vector<16xf32>, vector<16xf32>, vector<16xf32>, vector<16xf32>, vector<16xf32>, vector<16xf32>, vector<16xf32>, vector<16xf32>, vector<16xf32>, vector<16xf32>, vector<16xf32>, vector<16xf32>, vector<16xf32>, vector<16xf32>, vector<16xf32>, vector<16xf32>, vector<16xf32>, vector<16xf32>, vector<16xf32>, vector<16xf32>, vector<16xf32>, vector<16xf32>, vector<16xf32>, vector<16xf32>, vector<16xf32>, vector<16xf32>, vector<16xf32>, vector<16xf32>, vector<16xf32>, vector<16xf32>, vector<16xf32>, vector<16xf32>, vector<16xf32>, vector<16xf32>, vector<16xf32>, vector<16xf32>, vector<16xf32>, vector<16xf32>, vector<16xf32>, vector<16xf32>, vector<16xf32>, vector<16xf32>, vector<16xf32>, vector<16xf32>
        } do {
        ^bb0(%while3A_560: i32, %while3A_561: i32, %while3A_562: i32, %while3A_563: i32, %while3A_564: vector<16xf32>, %while3A_565: vector<16xf32>, %while3A_566: vector<16xf32>, %while3A_567: vector<16xf32>, %while3A_568: vector<16xf32>, %while3A_569: vector<16xf32>, %while3A_570: vector<16xf32>, %while3A_571: vector<16xf32>, %while3A_572: vector<16xf32>, %while3A_573: vector<16xf32>, %while3A_574: vector<16xf32>, %while3A_575: vector<16xf32>, %while3A_576: vector<16xf32>, %while3A_577: vector<16xf32>, %while3A_578: vector<16xf32>, %while3A_579: vector<16xf32>, %while3A_580: vector<16xf32>, %while3A_581: vector<16xf32>, %while3A_582: vector<16xf32>, %while3A_583: vector<16xf32>, %while3A_584: vector<16xf32>, %while3A_585: vector<16xf32>, %while3A_586: vector<16xf32>, %while3A_587: vector<16xf32>, %while3A_588: vector<16xf32>, %while3A_589: vector<16xf32>, %while3A_590: vector<16xf32>, %while3A_591: vector<16xf32>, %while3A_592: vector<16xf32>, %while3A_593: vector<16xf32>, %while3A_594: vector<16xf32>, %while3A_595: vector<16xf32>, %while3A_596: vector<16xf32>, %while3A_597: vector<16xf32>, %while3A_598: vector<16xf32>, %while3A_599: vector<16xf32>, %while3A_600: vector<16xf32>, %while3A_601: vector<16xf32>, %while3A_602: vector<16xf32>, %while3A_603: vector<16xf32>, %while3A_604: vector<16xf32>, %while3A_605: vector<16xf32>, %while3A_606: vector<16xf32>, %while3A_607: vector<16xf32>, %while3A_608: vector<16xf32>, %while3A_609: vector<16xf32>, %while3A_610: vector<16xf32>, %while3A_611: vector<16xf32>):
          %ge3A = arith.cmpi sge, %while3A_560, %while3A_561 : i32
          %add3A_612 = arith.constant 64 : i32
          %add3A_613 = arith.addi %while3A_561, %add3A_612 : i32
          %lt3A = arith.cmpi slt, %while3A_560, %add3A_613 : i32
          %and3A_614 = arith.andi %ge3A, %lt3A : i1
          %convert_element_type3A_615 = arith.extui %and3A_614 : i1 to i32
          %cond3A_616 = arith.constant 0 : i32
          %cond3A_617 = arith.cmpi ne, %convert_element_type3A_615, %cond3A_616 : i32
          %cond3A_618:52 = scf.if %cond3A_617 -> (i32, i32, i32, i32, vector<16xf32>, vector<16xf32>, vector<16xf32>, vector<16xf32>, vector<16xf32>, vector<16xf32>, vector<16xf32>, vector<16xf32>, vector<16xf32>, vector<16xf32>, vector<16xf32>, vector<16xf32>, vector<16xf32>, vector<16xf32>, vector<16xf32>, vector<16xf32>, vector<16xf32>, vector<16xf32>, vector<16xf32>, vector<16xf32>, vector<16xf32>, vector<16xf32>, vector<16xf32>, vector<16xf32>, vector<16xf32>, vector<16xf32>, vector<16xf32>, vector<16xf32>, vector<16xf32>, vector<16xf32>, vector<16xf32>, vector<16xf32>, vector<16xf32>, vector<16xf32>, vector<16xf32>, vector<16xf32>, vector<16xf32>, vector<16xf32>, vector<16xf32>, vector<16xf32>, vector<16xf32>, vector<16xf32>, vector<16xf32>, vector<16xf32>, vector<16xf32>, vector<16xf32>, vector<16xf32>, vector<16xf32>) {
            %sub3A_619 = arith.subi %add3A_77, %while3A_561 : i32
            %min3A = arith.constant 64 : i32
            %min3A_620 = arith.minsi %sub3A_619, %min3A : i32
            %mul3A_621 = arith.constant 49152 : i32
            %mul3A_622 = arith.muli %while3A_562, %mul3A_621 : i32
            %sub3A_623 = arith.subi %while3A_560, %while3A_561 : i32
            %while3A_624 = arith.subi %min3A_620, %sub3A_623 : i32
            %while3A_625 = arith.addi %sub3A_623, %while3A_624 : i32
            %while3A_626 = arith.constant 1 : i32
            %while3A_627 = arith.divsi %while3A_624, %while3A_626 : i32
            %while3A_628 = arith.muli %while3A_627, %while3A_626 : i32
            %while3A_629 = arith.addi %sub3A_623, %while3A_628 : i32
            %while3A_630 = arith.constant 1 : i32
            %while3A_631:48 = scf.for %while3A_635 = %sub3A_623 to %while3A_629 step %while3A_630 iter_args(%while3A_636 = %while3A_564, %while3A_637 = %while3A_565, %while3A_638 = %while3A_566, %while3A_639 = %while3A_567, %while3A_640 = %while3A_568, %while3A_641 = %while3A_569, %while3A_642 = %while3A_570, %while3A_643 = %while3A_571, %while3A_644 = %while3A_572, %while3A_645 = %while3A_573, %while3A_646 = %while3A_574, %while3A_647 = %while3A_575, %while3A_648 = %while3A_576, %while3A_649 = %while3A_577, %while3A_650 = %while3A_578, %while3A_651 = %while3A_579, %while3A_652 = %while3A_580, %while3A_653 = %while3A_581, %while3A_654 = %while3A_582, %while3A_655 = %while3A_583, %while3A_656 = %while3A_584, %while3A_657 = %while3A_585, %while3A_658 = %while3A_586, %while3A_659 = %while3A_587, %while3A_660 = %while3A_588, %while3A_661 = %while3A_589, %while3A_662 = %while3A_590, %while3A_663 = %while3A_591, %while3A_664 = %while3A_592, %while3A_665 = %while3A_593, %while3A_666 = %while3A_594, %while3A_667 = %while3A_595, %while3A_668 = %while3A_596, %while3A_669 = %while3A_597, %while3A_670 = %while3A_598, %while3A_671 = %while3A_599, %while3A_672 = %while3A_600, %while3A_673 = %while3A_601, %while3A_674 = %while3A_602, %while3A_675 = %while3A_603, %while3A_676 = %while3A_604, %while3A_677 = %while3A_605, %while3A_678 = %while3A_606, %while3A_679 = %while3A_607, %while3A_680 = %while3A_608, %while3A_681 = %while3A_609, %while3A_682 = %while3A_610, %while3A_683 = %while3A_611) -> (vector<16xf32>, vector<16xf32>, vector<16xf32>, vector<16xf32>, vector<16xf32>, vector<16xf32>, vector<16xf32>, vector<16xf32>, vector<16xf32>, vector<16xf32>, vector<16xf32>, vector<16xf32>, vector<16xf32>, vector<16xf32>, vector<16xf32>, vector<16xf32>, vector<16xf32>, vector<16xf32>, vector<16xf32>, vector<16xf32>, vector<16xf32>, vector<16xf32>, vector<16xf32>, vector<16xf32>, vector<16xf32>, vector<16xf32>, vector<16xf32>, vector<16xf32>, vector<16xf32>, vector<16xf32>, vector<16xf32>, vector<16xf32>, vector<16xf32>, vector<16xf32>, vector<16xf32>, vector<16xf32>, vector<16xf32>, vector<16xf32>, vector<16xf32>, vector<16xf32>, vector<16xf32>, vector<16xf32>, vector<16xf32>, vector<16xf32>, vector<16xf32>, vector<16xf32>, vector<16xf32>, vector<16xf32>)  : i32 {
              %mul3A_684 = arith.constant 768 : i32
              %mul3A_685 = arith.muli %while3A_635, %mul3A_684 : i32
              %add3A_686 = arith.addi %mul3A_622, %mul3A_685 : i32
              %add3A_687 = arith.constant 0 : i32
              %add3A_688 = arith.addi %add3A_686, %add3A_687 : i32
              %get3A_689 = arith.index_cast %add3A_688 : i32 to index
              %get3A_690 = tpu.vector_load %arg11[%get3A_689] {strides = array<i32>} : memref<98304xf32, #tpu.memory_space<vmem>>, vector<16xf32>,
              %add3A_691 = arith.addf %while3A_636, %get3A_690 : vector<16xf32>
              %add3A_692 = arith.constant 16 : i32
              %add3A_693 = arith.addi %add3A_686, %add3A_692 : i32
              %get3A_694 = arith.index_cast %add3A_693 : i32 to index
              %get3A_695 = tpu.vector_load %arg11[%get3A_694] {strides = array<i32>} : memref<98304xf32, #tpu.memory_space<vmem>>, vector<16xf32>,
              %add3A_696 = arith.addf %while3A_637, %get3A_695 : vector<16xf32>
              %add3A_697 = arith.constant 32 : i32
              %add3A_698 = arith.addi %add3A_686, %add3A_697 : i32
              %get3A_699 = arith.index_cast %add3A_698 : i32 to index
              %get3A_700 = tpu.vector_load %arg11[%get3A_699] {strides = array<i32>} : memref<98304xf32, #tpu.memory_space<vmem>>, vector<16xf32>,
              %add3A_701 = arith.addf %while3A_638, %get3A_700 : vector<16xf32>
              %add3A_702 = arith.constant 48 : i32
              %add3A_703 = arith.addi %add3A_686, %add3A_702 : i32
              %get3A_704 = arith.index_cast %add3A_703 : i32 to index
              %get3A_705 = tpu.vector_load %arg11[%get3A_704] {strides = array<i32>} : memref<98304xf32, #tpu.memory_space<vmem>>, vector<16xf32>,
              %add3A_706 = arith.addf %while3A_639, %get3A_705 : vector<16xf32>
              %add3A_707 = arith.constant 64 : i32
              %add3A_708 = arith.addi %add3A_686, %add3A_707 : i32
              %get3A_709 = arith.index_cast %add3A_708 : i32 to index
              %get3A_710 = tpu.vector_load %arg11[%get3A_709] {strides = array<i32>} : memref<98304xf32, #tpu.memory_space<vmem>>, vector<16xf32>,
              %add3A_711 = arith.addf %while3A_640, %get3A_710 : vector<16xf32>
              %add3A_712 = arith.constant 80 : i32
              %add3A_713 = arith.addi %add3A_686, %add3A_712 : i32
              %get3A_714 = arith.index_cast %add3A_713 : i32 to index
              %get3A_715 = tpu.vector_load %arg11[%get3A_714] {strides = array<i32>} : memref<98304xf32, #tpu.memory_space<vmem>>, vector<16xf32>,
              %add3A_716 = arith.addf %while3A_641, %get3A_715 : vector<16xf32>
              %add3A_717 = arith.constant 96 : i32
              %add3A_718 = arith.addi %add3A_686, %add3A_717 : i32
              %get3A_719 = arith.index_cast %add3A_718 : i32 to index
              %get3A_720 = tpu.vector_load %arg11[%get3A_719] {strides = array<i32>} : memref<98304xf32, #tpu.memory_space<vmem>>, vector<16xf32>,
              %add3A_721 = arith.addf %while3A_642, %get3A_720 : vector<16xf32>
              %add3A_722 = arith.constant 112 : i32
              %add3A_723 = arith.addi %add3A_686, %add3A_722 : i32
              %get3A_724 = arith.index_cast %add3A_723 : i32 to index
              %get3A_725 = tpu.vector_load %arg11[%get3A_724] {strides = array<i32>} : memref<98304xf32, #tpu.memory_space<vmem>>, vector<16xf32>,
              %add3A_726 = arith.addf %while3A_643, %get3A_725 : vector<16xf32>
              %add3A_727 = arith.constant 128 : i32
              %add3A_728 = arith.addi %add3A_686, %add3A_727 : i32
              %get3A_729 = arith.index_cast %add3A_728 : i32 to index
              %get3A_730 = tpu.vector_load %arg11[%get3A_729] {strides = array<i32>} : memref<98304xf32, #tpu.memory_space<vmem>>, vector<16xf32>,
              %add3A_731 = arith.addf %while3A_644, %get3A_730 : vector<16xf32>
              %add3A_732 = arith.constant 144 : i32
              %add3A_733 = arith.addi %add3A_686, %add3A_732 : i32
              %get3A_734 = arith.index_cast %add3A_733 : i32 to index
              %get3A_735 = tpu.vector_load %arg11[%get3A_734] {strides = array<i32>} : memref<98304xf32, #tpu.memory_space<vmem>>, vector<16xf32>,
              %add3A_736 = arith.addf %while3A_645, %get3A_735 : vector<16xf32>
              %add3A_737 = arith.constant 160 : i32
              %add3A_738 = arith.addi %add3A_686, %add3A_737 : i32
              %get3A_739 = arith.index_cast %add3A_738 : i32 to index
              %get3A_740 = tpu.vector_load %arg11[%get3A_739] {strides = array<i32>} : memref<98304xf32, #tpu.memory_space<vmem>>, vector<16xf32>,
              %add3A_741 = arith.addf %while3A_646, %get3A_740 : vector<16xf32>
              %add3A_742 = arith.constant 176 : i32
              %add3A_743 = arith.addi %add3A_686, %add3A_742 : i32
              %get3A_744 = arith.index_cast %add3A_743 : i32 to index
              %get3A_745 = tpu.vector_load %arg11[%get3A_744] {strides = array<i32>} : memref<98304xf32, #tpu.memory_space<vmem>>, vector<16xf32>,
              %add3A_746 = arith.addf %while3A_647, %get3A_745 : vector<16xf32>
              %add3A_747 = arith.constant 192 : i32
              %add3A_748 = arith.addi %add3A_686, %add3A_747 : i32
              %get3A_749 = arith.index_cast %add3A_748 : i32 to index
              %get3A_750 = tpu.vector_load %arg11[%get3A_749] {strides = array<i32>} : memref<98304xf32, #tpu.memory_space<vmem>>, vector<16xf32>,
              %add3A_751 = arith.addf %while3A_648, %get3A_750 : vector<16xf32>
              %add3A_752 = arith.constant 208 : i32
              %add3A_753 = arith.addi %add3A_686, %add3A_752 : i32
              %get3A_754 = arith.index_cast %add3A_753 : i32 to index
              %get3A_755 = tpu.vector_load %arg11[%get3A_754] {strides = array<i32>} : memref<98304xf32, #tpu.memory_space<vmem>>, vector<16xf32>,
              %add3A_756 = arith.addf %while3A_649, %get3A_755 : vector<16xf32>
              %add3A_757 = arith.constant 224 : i32
              %add3A_758 = arith.addi %add3A_686, %add3A_757 : i32
              %get3A_759 = arith.index_cast %add3A_758 : i32 to index
              %get3A_760 = tpu.vector_load %arg11[%get3A_759] {strides = array<i32>} : memref<98304xf32, #tpu.memory_space<vmem>>, vector<16xf32>,
              %add3A_761 = arith.addf %while3A_650, %get3A_760 : vector<16xf32>
              %add3A_762 = arith.constant 240 : i32
              %add3A_763 = arith.addi %add3A_686, %add3A_762 : i32
              %get3A_764 = arith.index_cast %add3A_763 : i32 to index
              %get3A_765 = tpu.vector_load %arg11[%get3A_764] {strides = array<i32>} : memref<98304xf32, #tpu.memory_space<vmem>>, vector<16xf32>,
              %add3A_766 = arith.addf %while3A_651, %get3A_765 : vector<16xf32>
              %add3A_767 = arith.constant 256 : i32
              %add3A_768 = arith.addi %add3A_686, %add3A_767 : i32
              %get3A_769 = arith.index_cast %add3A_768 : i32 to index
              %get3A_770 = tpu.vector_load %arg11[%get3A_769] {strides = array<i32>} : memref<98304xf32, #tpu.memory_space<vmem>>, vector<16xf32>,
              %add3A_771 = arith.addf %while3A_652, %get3A_770 : vector<16xf32>
              %add3A_772 = arith.constant 272 : i32
              %add3A_773 = arith.addi %add3A_686, %add3A_772 : i32
              %get3A_774 = arith.index_cast %add3A_773 : i32 to index
              %get3A_775 = tpu.vector_load %arg11[%get3A_774] {strides = array<i32>} : memref<98304xf32, #tpu.memory_space<vmem>>, vector<16xf32>,
              %add3A_776 = arith.addf %while3A_653, %get3A_775 : vector<16xf32>
              %add3A_777 = arith.constant 288 : i32
              %add3A_778 = arith.addi %add3A_686, %add3A_777 : i32
              %get3A_779 = arith.index_cast %add3A_778 : i32 to index
              %get3A_780 = tpu.vector_load %arg11[%get3A_779] {strides = array<i32>} : memref<98304xf32, #tpu.memory_space<vmem>>, vector<16xf32>,
              %add3A_781 = arith.addf %while3A_654, %get3A_780 : vector<16xf32>
              %add3A_782 = arith.constant 304 : i32
              %add3A_783 = arith.addi %add3A_686, %add3A_782 : i32
              %get3A_784 = arith.index_cast %add3A_783 : i32 to index
              %get3A_785 = tpu.vector_load %arg11[%get3A_784] {strides = array<i32>} : memref<98304xf32, #tpu.memory_space<vmem>>, vector<16xf32>,
              %add3A_786 = arith.addf %while3A_655, %get3A_785 : vector<16xf32>
              %add3A_787 = arith.constant 320 : i32
              %add3A_788 = arith.addi %add3A_686, %add3A_787 : i32
              %get3A_789 = arith.index_cast %add3A_788 : i32 to index
              %get3A_790 = tpu.vector_load %arg11[%get3A_789] {strides = array<i32>} : memref<98304xf32, #tpu.memory_space<vmem>>, vector<16xf32>,
              %add3A_791 = arith.addf %while3A_656, %get3A_790 : vector<16xf32>
              %add3A_792 = arith.constant 336 : i32
              %add3A_793 = arith.addi %add3A_686, %add3A_792 : i32
              %get3A_794 = arith.index_cast %add3A_793 : i32 to index
              %get3A_795 = tpu.vector_load %arg11[%get3A_794] {strides = array<i32>} : memref<98304xf32, #tpu.memory_space<vmem>>, vector<16xf32>,
              %add3A_796 = arith.addf %while3A_657, %get3A_795 : vector<16xf32>
              %add3A_797 = arith.constant 352 : i32
              %add3A_798 = arith.addi %add3A_686, %add3A_797 : i32
              %get3A_799 = arith.index_cast %add3A_798 : i32 to index
              %get3A_800 = tpu.vector_load %arg11[%get3A_799] {strides = array<i32>} : memref<98304xf32, #tpu.memory_space<vmem>>, vector<16xf32>,
              %add3A_801 = arith.addf %while3A_658, %get3A_800 : vector<16xf32>
              %add3A_802 = arith.constant 368 : i32
              %add3A_803 = arith.addi %add3A_686, %add3A_802 : i32
              %get3A_804 = arith.index_cast %add3A_803 : i32 to index
              %get3A_805 = tpu.vector_load %arg11[%get3A_804] {strides = array<i32>} : memref<98304xf32, #tpu.memory_space<vmem>>, vector<16xf32>,
              %add3A_806 = arith.addf %while3A_659, %get3A_805 : vector<16xf32>
              %add3A_807 = arith.constant 384 : i32
              %add3A_808 = arith.addi %add3A_686, %add3A_807 : i32
              %get3A_809 = arith.index_cast %add3A_808 : i32 to index
              %get3A_810 = tpu.vector_load %arg11[%get3A_809] {strides = array<i32>} : memref<98304xf32, #tpu.memory_space<vmem>>, vector<16xf32>,
              %add3A_811 = arith.addf %while3A_660, %get3A_810 : vector<16xf32>
              %add3A_812 = arith.constant 400 : i32
              %add3A_813 = arith.addi %add3A_686, %add3A_812 : i32
              %get3A_814 = arith.index_cast %add3A_813 : i32 to index
              %get3A_815 = tpu.vector_load %arg11[%get3A_814] {strides = array<i32>} : memref<98304xf32, #tpu.memory_space<vmem>>, vector<16xf32>,
              %add3A_816 = arith.addf %while3A_661, %get3A_815 : vector<16xf32>
              %add3A_817 = arith.constant 416 : i32
              %add3A_818 = arith.addi %add3A_686, %add3A_817 : i32
              %get3A_819 = arith.index_cast %add3A_818 : i32 to index
              %get3A_820 = tpu.vector_load %arg11[%get3A_819] {strides = array<i32>} : memref<98304xf32, #tpu.memory_space<vmem>>, vector<16xf32>,
              %add3A_821 = arith.addf %while3A_662, %get3A_820 : vector<16xf32>
              %add3A_822 = arith.constant 432 : i32
              %add3A_823 = arith.addi %add3A_686, %add3A_822 : i32
              %get3A_824 = arith.index_cast %add3A_823 : i32 to index
              %get3A_825 = tpu.vector_load %arg11[%get3A_824] {strides = array<i32>} : memref<98304xf32, #tpu.memory_space<vmem>>, vector<16xf32>,
              %add3A_826 = arith.addf %while3A_663, %get3A_825 : vector<16xf32>
              %add3A_827 = arith.constant 448 : i32
              %add3A_828 = arith.addi %add3A_686, %add3A_827 : i32
              %get3A_829 = arith.index_cast %add3A_828 : i32 to index
              %get3A_830 = tpu.vector_load %arg11[%get3A_829] {strides = array<i32>} : memref<98304xf32, #tpu.memory_space<vmem>>, vector<16xf32>,
              %add3A_831 = arith.addf %while3A_664, %get3A_830 : vector<16xf32>
              %add3A_832 = arith.constant 464 : i32
              %add3A_833 = arith.addi %add3A_686, %add3A_832 : i32
              %get3A_834 = arith.index_cast %add3A_833 : i32 to index
              %get3A_835 = tpu.vector_load %arg11[%get3A_834] {strides = array<i32>} : memref<98304xf32, #tpu.memory_space<vmem>>, vector<16xf32>,
              %add3A_836 = arith.addf %while3A_665, %get3A_835 : vector<16xf32>
              %add3A_837 = arith.constant 480 : i32
              %add3A_838 = arith.addi %add3A_686, %add3A_837 : i32
              %get3A_839 = arith.index_cast %add3A_838 : i32 to index
              %get3A_840 = tpu.vector_load %arg11[%get3A_839] {strides = array<i32>} : memref<98304xf32, #tpu.memory_space<vmem>>, vector<16xf32>,
              %add3A_841 = arith.addf %while3A_666, %get3A_840 : vector<16xf32>
              %add3A_842 = arith.constant 496 : i32
              %add3A_843 = arith.addi %add3A_686, %add3A_842 : i32
              %get3A_844 = arith.index_cast %add3A_843 : i32 to index
              %get3A_845 = tpu.vector_load %arg11[%get3A_844] {strides = array<i32>} : memref<98304xf32, #tpu.memory_space<vmem>>, vector<16xf32>,
              %add3A_846 = arith.addf %while3A_667, %get3A_845 : vector<16xf32>
              %add3A_847 = arith.constant 512 : i32
              %add3A_848 = arith.addi %add3A_686, %add3A_847 : i32
              %get3A_849 = arith.index_cast %add3A_848 : i32 to index
              %get3A_850 = tpu.vector_load %arg11[%get3A_849] {strides = array<i32>} : memref<98304xf32, #tpu.memory_space<vmem>>, vector<16xf32>,
              %add3A_851 = arith.addf %while3A_668, %get3A_850 : vector<16xf32>
              %add3A_852 = arith.constant 528 : i32
              %add3A_853 = arith.addi %add3A_686, %add3A_852 : i32
              %get3A_854 = arith.index_cast %add3A_853 : i32 to index
              %get3A_855 = tpu.vector_load %arg11[%get3A_854] {strides = array<i32>} : memref<98304xf32, #tpu.memory_space<vmem>>, vector<16xf32>,
              %add3A_856 = arith.addf %while3A_669, %get3A_855 : vector<16xf32>
              %add3A_857 = arith.constant 544 : i32
              %add3A_858 = arith.addi %add3A_686, %add3A_857 : i32
              %get3A_859 = arith.index_cast %add3A_858 : i32 to index
              %get3A_860 = tpu.vector_load %arg11[%get3A_859] {strides = array<i32>} : memref<98304xf32, #tpu.memory_space<vmem>>, vector<16xf32>,
              %add3A_861 = arith.addf %while3A_670, %get3A_860 : vector<16xf32>
              %add3A_862 = arith.constant 560 : i32
              %add3A_863 = arith.addi %add3A_686, %add3A_862 : i32
              %get3A_864 = arith.index_cast %add3A_863 : i32 to index
              %get3A_865 = tpu.vector_load %arg11[%get3A_864] {strides = array<i32>} : memref<98304xf32, #tpu.memory_space<vmem>>, vector<16xf32>,
              %add3A_866 = arith.addf %while3A_671, %get3A_865 : vector<16xf32>
              %add3A_867 = arith.constant 576 : i32
              %add3A_868 = arith.addi %add3A_686, %add3A_867 : i32
              %get3A_869 = arith.index_cast %add3A_868 : i32 to index
              %get3A_870 = tpu.vector_load %arg11[%get3A_869] {strides = array<i32>} : memref<98304xf32, #tpu.memory_space<vmem>>, vector<16xf32>,
              %add3A_871 = arith.addf %while3A_672, %get3A_870 : vector<16xf32>
              %add3A_872 = arith.constant 592 : i32
              %add3A_873 = arith.addi %add3A_686, %add3A_872 : i32
              %get3A_874 = arith.index_cast %add3A_873 : i32 to index
              %get3A_875 = tpu.vector_load %arg11[%get3A_874] {strides = array<i32>} : memref<98304xf32, #tpu.memory_space<vmem>>, vector<16xf32>,
              %add3A_876 = arith.addf %while3A_673, %get3A_875 : vector<16xf32>
              %add3A_877 = arith.constant 608 : i32
              %add3A_878 = arith.addi %add3A_686, %add3A_877 : i32
              %get3A_879 = arith.index_cast %add3A_878 : i32 to index
              %get3A_880 = tpu.vector_load %arg11[%get3A_879] {strides = array<i32>} : memref<98304xf32, #tpu.memory_space<vmem>>, vector<16xf32>,
              %add3A_881 = arith.addf %while3A_674, %get3A_880 : vector<16xf32>
              %add3A_882 = arith.constant 624 : i32
              %add3A_883 = arith.addi %add3A_686, %add3A_882 : i32
              %get3A_884 = arith.index_cast %add3A_883 : i32 to index
              %get3A_885 = tpu.vector_load %arg11[%get3A_884] {strides = array<i32>} : memref<98304xf32, #tpu.memory_space<vmem>>, vector<16xf32>,
              %add3A_886 = arith.addf %while3A_675, %get3A_885 : vector<16xf32>
              %add3A_887 = arith.constant 640 : i32
              %add3A_888 = arith.addi %add3A_686, %add3A_887 : i32
              %get3A_889 = arith.index_cast %add3A_888 : i32 to index
              %get3A_890 = tpu.vector_load %arg11[%get3A_889] {strides = array<i32>} : memref<98304xf32, #tpu.memory_space<vmem>>, vector<16xf32>,
              %add3A_891 = arith.addf %while3A_676, %get3A_890 : vector<16xf32>
              %add3A_892 = arith.constant 656 : i32
              %add3A_893 = arith.addi %add3A_686, %add3A_892 : i32
              %get3A_894 = arith.index_cast %add3A_893 : i32 to index
              %get3A_895 = tpu.vector_load %arg11[%get3A_894] {strides = array<i32>} : memref<98304xf32, #tpu.memory_space<vmem>>, vector<16xf32>,
              %add3A_896 = arith.addf %while3A_677, %get3A_895 : vector<16xf32>
              %add3A_897 = arith.constant 672 : i32
              %add3A_898 = arith.addi %add3A_686, %add3A_897 : i32
              %get3A_899 = arith.index_cast %add3A_898 : i32 to index
              %get3A_900 = tpu.vector_load %arg11[%get3A_899] {strides = array<i32>} : memref<98304xf32, #tpu.memory_space<vmem>>, vector<16xf32>,
              %add3A_901 = arith.addf %while3A_678, %get3A_900 : vector<16xf32>
              %add3A_902 = arith.constant 688 : i32
              %add3A_903 = arith.addi %add3A_686, %add3A_902 : i32
              %get3A_904 = arith.index_cast %add3A_903 : i32 to index
              %get3A_905 = tpu.vector_load %arg11[%get3A_904] {strides = array<i32>} : memref<98304xf32, #tpu.memory_space<vmem>>, vector<16xf32>,
              %add3A_906 = arith.addf %while3A_679, %get3A_905 : vector<16xf32>
              %add3A_907 = arith.constant 704 : i32
              %add3A_908 = arith.addi %add3A_686, %add3A_907 : i32
              %get3A_909 = arith.index_cast %add3A_908 : i32 to index
              %get3A_910 = tpu.vector_load %arg11[%get3A_909] {strides = array<i32>} : memref<98304xf32, #tpu.memory_space<vmem>>, vector<16xf32>,
              %add3A_911 = arith.addf %while3A_680, %get3A_910 : vector<16xf32>
              %add3A_912 = arith.constant 720 : i32
              %add3A_913 = arith.addi %add3A_686, %add3A_912 : i32
              %get3A_914 = arith.index_cast %add3A_913 : i32 to index
              %get3A_915 = tpu.vector_load %arg11[%get3A_914] {strides = array<i32>} : memref<98304xf32, #tpu.memory_space<vmem>>, vector<16xf32>,
              %add3A_916 = arith.addf %while3A_681, %get3A_915 : vector<16xf32>
              %add3A_917 = arith.constant 736 : i32
              %add3A_918 = arith.addi %add3A_686, %add3A_917 : i32
              %get3A_919 = arith.index_cast %add3A_918 : i32 to index
              %get3A_920 = tpu.vector_load %arg11[%get3A_919] {strides = array<i32>} : memref<98304xf32, #tpu.memory_space<vmem>>, vector<16xf32>,
              %add3A_921 = arith.addf %while3A_682, %get3A_920 : vector<16xf32>
              %add3A_922 = arith.constant 752 : i32
              %add3A_923 = arith.addi %add3A_686, %add3A_922 : i32
              %get3A_924 = arith.index_cast %add3A_923 : i32 to index
              %get3A_925 = tpu.vector_load %arg11[%get3A_924] {strides = array<i32>} : memref<98304xf32, #tpu.memory_space<vmem>>, vector<16xf32>,
              %add3A_926 = arith.addf %while3A_683, %get3A_925 : vector<16xf32>
              scf.yield %add3A_691, %add3A_696, %add3A_701, %add3A_706, %add3A_711, %add3A_716, %add3A_721, %add3A_726, %add3A_731, %add3A_736, %add3A_741, %add3A_746, %add3A_751, %add3A_756, %add3A_761, %add3A_766, %add3A_771, %add3A_776, %add3A_781, %add3A_786, %add3A_791, %add3A_796, %add3A_801, %add3A_806, %add3A_811, %add3A_816, %add3A_821, %add3A_826, %add3A_831, %add3A_836, %add3A_841, %add3A_846, %add3A_851, %add3A_856, %add3A_861, %add3A_866, %add3A_871, %add3A_876, %add3A_881, %add3A_886, %add3A_891, %add3A_896, %add3A_901, %add3A_906, %add3A_911, %add3A_916, %add3A_921, %add3A_926 : vector<16xf32>, vector<16xf32>, vector<16xf32>, vector<16xf32>, vector<16xf32>, vector<16xf32>, vector<16xf32>, vector<16xf32>, vector<16xf32>, vector<16xf32>, vector<16xf32>, vector<16xf32>, vector<16xf32>, vector<16xf32>, vector<16xf32>, vector<16xf32>, vector<16xf32>, vector<16xf32>, vector<16xf32>, vector<16xf32>, vector<16xf32>, vector<16xf32>, vector<16xf32>, vector<16xf32>, vector<16xf32>, vector<16xf32>, vector<16xf32>, vector<16xf32>, vector<16xf32>, vector<16xf32>, vector<16xf32>, vector<16xf32>, vector<16xf32>, vector<16xf32>, vector<16xf32>, vector<16xf32>, vector<16xf32>, vector<16xf32>, vector<16xf32>, vector<16xf32>, vector<16xf32>, vector<16xf32>, vector<16xf32>, vector<16xf32>, vector<16xf32>, vector<16xf32>, vector<16xf32>, vector<16xf32>
            }
            %while3A_632 = arith.constant 1 : i32
            %while3A_633:48 = scf.for %while3A_635 = %while3A_629 to %while3A_625 step %while3A_632 iter_args(%while3A_636 = %while3A_631#0, %while3A_637 = %while3A_631#1, %while3A_638 = %while3A_631#2, %while3A_639 = %while3A_631#3, %while3A_640 = %while3A_631#4, %while3A_641 = %while3A_631#5, %while3A_642 = %while3A_631#6, %while3A_643 = %while3A_631#7, %while3A_644 = %while3A_631#8, %while3A_645 = %while3A_631#9, %while3A_646 = %while3A_631#10, %while3A_647 = %while3A_631#11, %while3A_648 = %while3A_631#12, %while3A_649 = %while3A_631#13, %while3A_650 = %while3A_631#14, %while3A_651 = %while3A_631#15, %while3A_652 = %while3A_631#16, %while3A_653 = %while3A_631#17, %while3A_654 = %while3A_631#18, %while3A_655 = %while3A_631#19, %while3A_656 = %while3A_631#20, %while3A_657 = %while3A_631#21, %while3A_658 = %while3A_631#22, %while3A_659 = %while3A_631#23, %while3A_660 = %while3A_631#24, %while3A_661 = %while3A_631#25, %while3A_662 = %while3A_631#26, %while3A_663 = %while3A_631#27, %while3A_664 = %while3A_631#28, %while3A_665 = %while3A_631#29, %while3A_666 = %while3A_631#30, %while3A_667 = %while3A_631#31, %while3A_668 = %while3A_631#32, %while3A_669 = %while3A_631#33, %while3A_670 = %while3A_631#34, %while3A_671 = %while3A_631#35, %while3A_672 = %while3A_631#36, %while3A_673 = %while3A_631#37, %while3A_674 = %while3A_631#38, %while3A_675 = %while3A_631#39, %while3A_676 = %while3A_631#40, %while3A_677 = %while3A_631#41, %while3A_678 = %while3A_631#42, %while3A_679 = %while3A_631#43, %while3A_680 = %while3A_631#44, %while3A_681 = %while3A_631#45, %while3A_682 = %while3A_631#46, %while3A_683 = %while3A_631#47) -> (vector<16xf32>, vector<16xf32>, vector<16xf32>, vector<16xf32>, vector<16xf32>, vector<16xf32>, vector<16xf32>, vector<16xf32>, vector<16xf32>, vector<16xf32>, vector<16xf32>, vector<16xf32>, vector<16xf32>, vector<16xf32>, vector<16xf32>, vector<16xf32>, vector<16xf32>, vector<16xf32>, vector<16xf32>, vector<16xf32>, vector<16xf32>, vector<16xf32>, vector<16xf32>, vector<16xf32>, vector<16xf32>, vector<16xf32>, vector<16xf32>, vector<16xf32>, vector<16xf32>, vector<16xf32>, vector<16xf32>, vector<16xf32>, vector<16xf32>, vector<16xf32>, vector<16xf32>, vector<16xf32>, vector<16xf32>, vector<16xf32>, vector<16xf32>, vector<16xf32>, vector<16xf32>, vector<16xf32>, vector<16xf32>, vector<16xf32>, vector<16xf32>, vector<16xf32>, vector<16xf32>, vector<16xf32>)  : i32 {
              %mul3A_684 = arith.constant 768 : i32
              %mul3A_685 = arith.muli %while3A_635, %mul3A_684 : i32
              %add3A_686 = arith.addi %mul3A_622, %mul3A_685 : i32
              %add3A_687 = arith.constant 0 : i32
              %add3A_688 = arith.addi %add3A_686, %add3A_687 : i32
              %get3A_689 = arith.index_cast %add3A_688 : i32 to index
              %get3A_690 = tpu.vector_load %arg11[%get3A_689] {strides = array<i32>} : memref<98304xf32, #tpu.memory_space<vmem>>, vector<16xf32>,
              %add3A_691 = arith.addf %while3A_636, %get3A_690 : vector<16xf32>
              %add3A_692 = arith.constant 16 : i32
              %add3A_693 = arith.addi %add3A_686, %add3A_692 : i32
              %get3A_694 = arith.index_cast %add3A_693 : i32 to index
              %get3A_695 = tpu.vector_load %arg11[%get3A_694] {strides = array<i32>} : memref<98304xf32, #tpu.memory_space<vmem>>, vector<16xf32>,
              %add3A_696 = arith.addf %while3A_637, %get3A_695 : vector<16xf32>
              %add3A_697 = arith.constant 32 : i32
              %add3A_698 = arith.addi %add3A_686, %add3A_697 : i32
              %get3A_699 = arith.index_cast %add3A_698 : i32 to index
              %get3A_700 = tpu.vector_load %arg11[%get3A_699] {strides = array<i32>} : memref<98304xf32, #tpu.memory_space<vmem>>, vector<16xf32>,
              %add3A_701 = arith.addf %while3A_638, %get3A_700 : vector<16xf32>
              %add3A_702 = arith.constant 48 : i32
              %add3A_703 = arith.addi %add3A_686, %add3A_702 : i32
              %get3A_704 = arith.index_cast %add3A_703 : i32 to index
              %get3A_705 = tpu.vector_load %arg11[%get3A_704] {strides = array<i32>} : memref<98304xf32, #tpu.memory_space<vmem>>, vector<16xf32>,
              %add3A_706 = arith.addf %while3A_639, %get3A_705 : vector<16xf32>
              %add3A_707 = arith.constant 64 : i32
              %add3A_708 = arith.addi %add3A_686, %add3A_707 : i32
              %get3A_709 = arith.index_cast %add3A_708 : i32 to index
              %get3A_710 = tpu.vector_load %arg11[%get3A_709] {strides = array<i32>} : memref<98304xf32, #tpu.memory_space<vmem>>, vector<16xf32>,
              %add3A_711 = arith.addf %while3A_640, %get3A_710 : vector<16xf32>
              %add3A_712 = arith.constant 80 : i32
              %add3A_713 = arith.addi %add3A_686, %add3A_712 : i32
              %get3A_714 = arith.index_cast %add3A_713 : i32 to index
              %get3A_715 = tpu.vector_load %arg11[%get3A_714] {strides = array<i32>} : memref<98304xf32, #tpu.memory_space<vmem>>, vector<16xf32>,
              %add3A_716 = arith.addf %while3A_641, %get3A_715 : vector<16xf32>
              %add3A_717 = arith.constant 96 : i32
              %add3A_718 = arith.addi %add3A_686, %add3A_717 : i32
              %get3A_719 = arith.index_cast %add3A_718 : i32 to index
              %get3A_720 = tpu.vector_load %arg11[%get3A_719] {strides = array<i32>} : memref<98304xf32, #tpu.memory_space<vmem>>, vector<16xf32>,
              %add3A_721 = arith.addf %while3A_642, %get3A_720 : vector<16xf32>
              %add3A_722 = arith.constant 112 : i32
              %add3A_723 = arith.addi %add3A_686, %add3A_722 : i32
              %get3A_724 = arith.index_cast %add3A_723 : i32 to index
              %get3A_725 = tpu.vector_load %arg11[%get3A_724] {strides = array<i32>} : memref<98304xf32, #tpu.memory_space<vmem>>, vector<16xf32>,
              %add3A_726 = arith.addf %while3A_643, %get3A_725 : vector<16xf32>
              %add3A_727 = arith.constant 128 : i32
              %add3A_728 = arith.addi %add3A_686, %add3A_727 : i32
              %get3A_729 = arith.index_cast %add3A_728 : i32 to index
              %get3A_730 = tpu.vector_load %arg11[%get3A_729] {strides = array<i32>} : memref<98304xf32, #tpu.memory_space<vmem>>, vector<16xf32>,
              %add3A_731 = arith.addf %while3A_644, %get3A_730 : vector<16xf32>
              %add3A_732 = arith.constant 144 : i32
              %add3A_733 = arith.addi %add3A_686, %add3A_732 : i32
              %get3A_734 = arith.index_cast %add3A_733 : i32 to index
              %get3A_735 = tpu.vector_load %arg11[%get3A_734] {strides = array<i32>} : memref<98304xf32, #tpu.memory_space<vmem>>, vector<16xf32>,
              %add3A_736 = arith.addf %while3A_645, %get3A_735 : vector<16xf32>
              %add3A_737 = arith.constant 160 : i32
              %add3A_738 = arith.addi %add3A_686, %add3A_737 : i32
              %get3A_739 = arith.index_cast %add3A_738 : i32 to index
              %get3A_740 = tpu.vector_load %arg11[%get3A_739] {strides = array<i32>} : memref<98304xf32, #tpu.memory_space<vmem>>, vector<16xf32>,
              %add3A_741 = arith.addf %while3A_646, %get3A_740 : vector<16xf32>
              %add3A_742 = arith.constant 176 : i32
              %add3A_743 = arith.addi %add3A_686, %add3A_742 : i32
              %get3A_744 = arith.index_cast %add3A_743 : i32 to index
              %get3A_745 = tpu.vector_load %arg11[%get3A_744] {strides = array<i32>} : memref<98304xf32, #tpu.memory_space<vmem>>, vector<16xf32>,
              %add3A_746 = arith.addf %while3A_647, %get3A_745 : vector<16xf32>
              %add3A_747 = arith.constant 192 : i32
              %add3A_748 = arith.addi %add3A_686, %add3A_747 : i32
              %get3A_749 = arith.index_cast %add3A_748 : i32 to index
              %get3A_750 = tpu.vector_load %arg11[%get3A_749] {strides = array<i32>} : memref<98304xf32, #tpu.memory_space<vmem>>, vector<16xf32>,
              %add3A_751 = arith.addf %while3A_648, %get3A_750 : vector<16xf32>
              %add3A_752 = arith.constant 208 : i32
              %add3A_753 = arith.addi %add3A_686, %add3A_752 : i32
              %get3A_754 = arith.index_cast %add3A_753 : i32 to index
              %get3A_755 = tpu.vector_load %arg11[%get3A_754] {strides = array<i32>} : memref<98304xf32, #tpu.memory_space<vmem>>, vector<16xf32>,
              %add3A_756 = arith.addf %while3A_649, %get3A_755 : vector<16xf32>
              %add3A_757 = arith.constant 224 : i32
              %add3A_758 = arith.addi %add3A_686, %add3A_757 : i32
              %get3A_759 = arith.index_cast %add3A_758 : i32 to index
              %get3A_760 = tpu.vector_load %arg11[%get3A_759] {strides = array<i32>} : memref<98304xf32, #tpu.memory_space<vmem>>, vector<16xf32>,
              %add3A_761 = arith.addf %while3A_650, %get3A_760 : vector<16xf32>
              %add3A_762 = arith.constant 240 : i32
              %add3A_763 = arith.addi %add3A_686, %add3A_762 : i32
              %get3A_764 = arith.index_cast %add3A_763 : i32 to index
              %get3A_765 = tpu.vector_load %arg11[%get3A_764] {strides = array<i32>} : memref<98304xf32, #tpu.memory_space<vmem>>, vector<16xf32>,
              %add3A_766 = arith.addf %while3A_651, %get3A_765 : vector<16xf32>
              %add3A_767 = arith.constant 256 : i32
              %add3A_768 = arith.addi %add3A_686, %add3A_767 : i32
              %get3A_769 = arith.index_cast %add3A_768 : i32 to index
              %get3A_770 = tpu.vector_load %arg11[%get3A_769] {strides = array<i32>} : memref<98304xf32, #tpu.memory_space<vmem>>, vector<16xf32>,
              %add3A_771 = arith.addf %while3A_652, %get3A_770 : vector<16xf32>
              %add3A_772 = arith.constant 272 : i32
              %add3A_773 = arith.addi %add3A_686, %add3A_772 : i32
              %get3A_774 = arith.index_cast %add3A_773 : i32 to index
              %get3A_775 = tpu.vector_load %arg11[%get3A_774] {strides = array<i32>} : memref<98304xf32, #tpu.memory_space<vmem>>, vector<16xf32>,
              %add3A_776 = arith.addf %while3A_653, %get3A_775 : vector<16xf32>
              %add3A_777 = arith.constant 288 : i32
              %add3A_778 = arith.addi %add3A_686, %add3A_777 : i32
              %get3A_779 = arith.index_cast %add3A_778 : i32 to index
              %get3A_780 = tpu.vector_load %arg11[%get3A_779] {strides = array<i32>} : memref<98304xf32, #tpu.memory_space<vmem>>, vector<16xf32>,
              %add3A_781 = arith.addf %while3A_654, %get3A_780 : vector<16xf32>
              %add3A_782 = arith.constant 304 : i32
              %add3A_783 = arith.addi %add3A_686, %add3A_782 : i32
              %get3A_784 = arith.index_cast %add3A_783 : i32 to index
              %get3A_785 = tpu.vector_load %arg11[%get3A_784] {strides = array<i32>} : memref<98304xf32, #tpu.memory_space<vmem>>, vector<16xf32>,
              %add3A_786 = arith.addf %while3A_655, %get3A_785 : vector<16xf32>
              %add3A_787 = arith.constant 320 : i32
              %add3A_788 = arith.addi %add3A_686, %add3A_787 : i32
              %get3A_789 = arith.index_cast %add3A_788 : i32 to index
              %get3A_790 = tpu.vector_load %arg11[%get3A_789] {strides = array<i32>} : memref<98304xf32, #tpu.memory_space<vmem>>, vector<16xf32>,
              %add3A_791 = arith.addf %while3A_656, %get3A_790 : vector<16xf32>
              %add3A_792 = arith.constant 336 : i32
              %add3A_793 = arith.addi %add3A_686, %add3A_792 : i32
              %get3A_794 = arith.index_cast %add3A_793 : i32 to index
              %get3A_795 = tpu.vector_load %arg11[%get3A_794] {strides = array<i32>} : memref<98304xf32, #tpu.memory_space<vmem>>, vector<16xf32>,
              %add3A_796 = arith.addf %while3A_657, %get3A_795 : vector<16xf32>
              %add3A_797 = arith.constant 352 : i32
              %add3A_798 = arith.addi %add3A_686, %add3A_797 : i32
              %get3A_799 = arith.index_cast %add3A_798 : i32 to index
              %get3A_800 = tpu.vector_load %arg11[%get3A_799] {strides = array<i32>} : memref<98304xf32, #tpu.memory_space<vmem>>, vector<16xf32>,
              %add3A_801 = arith.addf %while3A_658, %get3A_800 : vector<16xf32>
              %add3A_802 = arith.constant 368 : i32
              %add3A_803 = arith.addi %add3A_686, %add3A_802 : i32
              %get3A_804 = arith.index_cast %add3A_803 : i32 to index
              %get3A_805 = tpu.vector_load %arg11[%get3A_804] {strides = array<i32>} : memref<98304xf32, #tpu.memory_space<vmem>>, vector<16xf32>,
              %add3A_806 = arith.addf %while3A_659, %get3A_805 : vector<16xf32>
              %add3A_807 = arith.constant 384 : i32
              %add3A_808 = arith.addi %add3A_686, %add3A_807 : i32
              %get3A_809 = arith.index_cast %add3A_808 : i32 to index
              %get3A_810 = tpu.vector_load %arg11[%get3A_809] {strides = array<i32>} : memref<98304xf32, #tpu.memory_space<vmem>>, vector<16xf32>,
              %add3A_811 = arith.addf %while3A_660, %get3A_810 : vector<16xf32>
              %add3A_812 = arith.constant 400 : i32
              %add3A_813 = arith.addi %add3A_686, %add3A_812 : i32
              %get3A_814 = arith.index_cast %add3A_813 : i32 to index
              %get3A_815 = tpu.vector_load %arg11[%get3A_814] {strides = array<i32>} : memref<98304xf32, #tpu.memory_space<vmem>>, vector<16xf32>,
              %add3A_816 = arith.addf %while3A_661, %get3A_815 : vector<16xf32>
              %add3A_817 = arith.constant 416 : i32
              %add3A_818 = arith.addi %add3A_686, %add3A_817 : i32
              %get3A_819 = arith.index_cast %add3A_818 : i32 to index
              %get3A_820 = tpu.vector_load %arg11[%get3A_819] {strides = array<i32>} : memref<98304xf32, #tpu.memory_space<vmem>>, vector<16xf32>,
              %add3A_821 = arith.addf %while3A_662, %get3A_820 : vector<16xf32>
              %add3A_822 = arith.constant 432 : i32
              %add3A_823 = arith.addi %add3A_686, %add3A_822 : i32
              %get3A_824 = arith.index_cast %add3A_823 : i32 to index
              %get3A_825 = tpu.vector_load %arg11[%get3A_824] {strides = array<i32>} : memref<98304xf32, #tpu.memory_space<vmem>>, vector<16xf32>,
              %add3A_826 = arith.addf %while3A_663, %get3A_825 : vector<16xf32>
              %add3A_827 = arith.constant 448 : i32
              %add3A_828 = arith.addi %add3A_686, %add3A_827 : i32
              %get3A_829 = arith.index_cast %add3A_828 : i32 to index
              %get3A_830 = tpu.vector_load %arg11[%get3A_829] {strides = array<i32>} : memref<98304xf32, #tpu.memory_space<vmem>>, vector<16xf32>,
              %add3A_831 = arith.addf %while3A_664, %get3A_830 : vector<16xf32>
              %add3A_832 = arith.constant 464 : i32
              %add3A_833 = arith.addi %add3A_686, %add3A_832 : i32
              %get3A_834 = arith.index_cast %add3A_833 : i32 to index
              %get3A_835 = tpu.vector_load %arg11[%get3A_834] {strides = array<i32>} : memref<98304xf32, #tpu.memory_space<vmem>>, vector<16xf32>,
              %add3A_836 = arith.addf %while3A_665, %get3A_835 : vector<16xf32>
              %add3A_837 = arith.constant 480 : i32
              %add3A_838 = arith.addi %add3A_686, %add3A_837 : i32
              %get3A_839 = arith.index_cast %add3A_838 : i32 to index
              %get3A_840 = tpu.vector_load %arg11[%get3A_839] {strides = array<i32>} : memref<98304xf32, #tpu.memory_space<vmem>>, vector<16xf32>,
              %add3A_841 = arith.addf %while3A_666, %get3A_840 : vector<16xf32>
              %add3A_842 = arith.constant 496 : i32
              %add3A_843 = arith.addi %add3A_686, %add3A_842 : i32
              %get3A_844 = arith.index_cast %add3A_843 : i32 to index
              %get3A_845 = tpu.vector_load %arg11[%get3A_844] {strides = array<i32>} : memref<98304xf32, #tpu.memory_space<vmem>>, vector<16xf32>,
              %add3A_846 = arith.addf %while3A_667, %get3A_845 : vector<16xf32>
              %add3A_847 = arith.constant 512 : i32
              %add3A_848 = arith.addi %add3A_686, %add3A_847 : i32
              %get3A_849 = arith.index_cast %add3A_848 : i32 to index
              %get3A_850 = tpu.vector_load %arg11[%get3A_849] {strides = array<i32>} : memref<98304xf32, #tpu.memory_space<vmem>>, vector<16xf32>,
              %add3A_851 = arith.addf %while3A_668, %get3A_850 : vector<16xf32>
              %add3A_852 = arith.constant 528 : i32
              %add3A_853 = arith.addi %add3A_686, %add3A_852 : i32
              %get3A_854 = arith.index_cast %add3A_853 : i32 to index
              %get3A_855 = tpu.vector_load %arg11[%get3A_854] {strides = array<i32>} : memref<98304xf32, #tpu.memory_space<vmem>>, vector<16xf32>,
              %add3A_856 = arith.addf %while3A_669, %get3A_855 : vector<16xf32>
              %add3A_857 = arith.constant 544 : i32
              %add3A_858 = arith.addi %add3A_686, %add3A_857 : i32
              %get3A_859 = arith.index_cast %add3A_858 : i32 to index
              %get3A_860 = tpu.vector_load %arg11[%get3A_859] {strides = array<i32>} : memref<98304xf32, #tpu.memory_space<vmem>>, vector<16xf32>,
              %add3A_861 = arith.addf %while3A_670, %get3A_860 : vector<16xf32>
              %add3A_862 = arith.constant 560 : i32
              %add3A_863 = arith.addi %add3A_686, %add3A_862 : i32
              %get3A_864 = arith.index_cast %add3A_863 : i32 to index
              %get3A_865 = tpu.vector_load %arg11[%get3A_864] {strides = array<i32>} : memref<98304xf32, #tpu.memory_space<vmem>>, vector<16xf32>,
              %add3A_866 = arith.addf %while3A_671, %get3A_865 : vector<16xf32>
              %add3A_867 = arith.constant 576 : i32
              %add3A_868 = arith.addi %add3A_686, %add3A_867 : i32
              %get3A_869 = arith.index_cast %add3A_868 : i32 to index
              %get3A_870 = tpu.vector_load %arg11[%get3A_869] {strides = array<i32>} : memref<98304xf32, #tpu.memory_space<vmem>>, vector<16xf32>,
              %add3A_871 = arith.addf %while3A_672, %get3A_870 : vector<16xf32>
              %add3A_872 = arith.constant 592 : i32
              %add3A_873 = arith.addi %add3A_686, %add3A_872 : i32
              %get3A_874 = arith.index_cast %add3A_873 : i32 to index
              %get3A_875 = tpu.vector_load %arg11[%get3A_874] {strides = array<i32>} : memref<98304xf32, #tpu.memory_space<vmem>>, vector<16xf32>,
              %add3A_876 = arith.addf %while3A_673, %get3A_875 : vector<16xf32>
              %add3A_877 = arith.constant 608 : i32
              %add3A_878 = arith.addi %add3A_686, %add3A_877 : i32
              %get3A_879 = arith.index_cast %add3A_878 : i32 to index
              %get3A_880 = tpu.vector_load %arg11[%get3A_879] {strides = array<i32>} : memref<98304xf32, #tpu.memory_space<vmem>>, vector<16xf32>,
              %add3A_881 = arith.addf %while3A_674, %get3A_880 : vector<16xf32>
              %add3A_882 = arith.constant 624 : i32
              %add3A_883 = arith.addi %add3A_686, %add3A_882 : i32
              %get3A_884 = arith.index_cast %add3A_883 : i32 to index
              %get3A_885 = tpu.vector_load %arg11[%get3A_884] {strides = array<i32>} : memref<98304xf32, #tpu.memory_space<vmem>>, vector<16xf32>,
              %add3A_886 = arith.addf %while3A_675, %get3A_885 : vector<16xf32>
              %add3A_887 = arith.constant 640 : i32
              %add3A_888 = arith.addi %add3A_686, %add3A_887 : i32
              %get3A_889 = arith.index_cast %add3A_888 : i32 to index
              %get3A_890 = tpu.vector_load %arg11[%get3A_889] {strides = array<i32>} : memref<98304xf32, #tpu.memory_space<vmem>>, vector<16xf32>,
              %add3A_891 = arith.addf %while3A_676, %get3A_890 : vector<16xf32>
              %add3A_892 = arith.constant 656 : i32
              %add3A_893 = arith.addi %add3A_686, %add3A_892 : i32
              %get3A_894 = arith.index_cast %add3A_893 : i32 to index
              %get3A_895 = tpu.vector_load %arg11[%get3A_894] {strides = array<i32>} : memref<98304xf32, #tpu.memory_space<vmem>>, vector<16xf32>,
              %add3A_896 = arith.addf %while3A_677, %get3A_895 : vector<16xf32>
              %add3A_897 = arith.constant 672 : i32
              %add3A_898 = arith.addi %add3A_686, %add3A_897 : i32
              %get3A_899 = arith.index_cast %add3A_898 : i32 to index
              %get3A_900 = tpu.vector_load %arg11[%get3A_899] {strides = array<i32>} : memref<98304xf32, #tpu.memory_space<vmem>>, vector<16xf32>,
              %add3A_901 = arith.addf %while3A_678, %get3A_900 : vector<16xf32>
              %add3A_902 = arith.constant 688 : i32
              %add3A_903 = arith.addi %add3A_686, %add3A_902 : i32
              %get3A_904 = arith.index_cast %add3A_903 : i32 to index
              %get3A_905 = tpu.vector_load %arg11[%get3A_904] {strides = array<i32>} : memref<98304xf32, #tpu.memory_space<vmem>>, vector<16xf32>,
              %add3A_906 = arith.addf %while3A_679, %get3A_905 : vector<16xf32>
              %add3A_907 = arith.constant 704 : i32
              %add3A_908 = arith.addi %add3A_686, %add3A_907 : i32
              %get3A_909 = arith.index_cast %add3A_908 : i32 to index
              %get3A_910 = tpu.vector_load %arg11[%get3A_909] {strides = array<i32>} : memref<98304xf32, #tpu.memory_space<vmem>>, vector<16xf32>,
              %add3A_911 = arith.addf %while3A_680, %get3A_910 : vector<16xf32>
              %add3A_912 = arith.constant 720 : i32
              %add3A_913 = arith.addi %add3A_686, %add3A_912 : i32
              %get3A_914 = arith.index_cast %add3A_913 : i32 to index
              %get3A_915 = tpu.vector_load %arg11[%get3A_914] {strides = array<i32>} : memref<98304xf32, #tpu.memory_space<vmem>>, vector<16xf32>,
              %add3A_916 = arith.addf %while3A_681, %get3A_915 : vector<16xf32>
              %add3A_917 = arith.constant 736 : i32
              %add3A_918 = arith.addi %add3A_686, %add3A_917 : i32
              %get3A_919 = arith.index_cast %add3A_918 : i32 to index
              %get3A_920 = tpu.vector_load %arg11[%get3A_919] {strides = array<i32>} : memref<98304xf32, #tpu.memory_space<vmem>>, vector<16xf32>,
              %add3A_921 = arith.addf %while3A_682, %get3A_920 : vector<16xf32>
              %add3A_922 = arith.constant 752 : i32
              %add3A_923 = arith.addi %add3A_686, %add3A_922 : i32
              %get3A_924 = arith.index_cast %add3A_923 : i32 to index
              %get3A_925 = tpu.vector_load %arg11[%get3A_924] {strides = array<i32>} : memref<98304xf32, #tpu.memory_space<vmem>>, vector<16xf32>,
              %add3A_926 = arith.addf %while3A_683, %get3A_925 : vector<16xf32>
              scf.yield %add3A_691, %add3A_696, %add3A_701, %add3A_706, %add3A_711, %add3A_716, %add3A_721, %add3A_726, %add3A_731, %add3A_736, %add3A_741, %add3A_746, %add3A_751, %add3A_756, %add3A_761, %add3A_766, %add3A_771, %add3A_776, %add3A_781, %add3A_786, %add3A_791, %add3A_796, %add3A_801, %add3A_806, %add3A_811, %add3A_816, %add3A_821, %add3A_826, %add3A_831, %add3A_836, %add3A_841, %add3A_846, %add3A_851, %add3A_856, %add3A_861, %add3A_866, %add3A_871, %add3A_876, %add3A_881, %add3A_886, %add3A_891, %add3A_896, %add3A_901, %add3A_906, %add3A_911, %add3A_916, %add3A_921, %add3A_926 : vector<16xf32>, vector<16xf32>, vector<16xf32>, vector<16xf32>, vector<16xf32>, vector<16xf32>, vector<16xf32>, vector<16xf32>, vector<16xf32>, vector<16xf32>, vector<16xf32>, vector<16xf32>, vector<16xf32>, vector<16xf32>, vector<16xf32>, vector<16xf32>, vector<16xf32>, vector<16xf32>, vector<16xf32>, vector<16xf32>, vector<16xf32>, vector<16xf32>, vector<16xf32>, vector<16xf32>, vector<16xf32>, vector<16xf32>, vector<16xf32>, vector<16xf32>, vector<16xf32>, vector<16xf32>, vector<16xf32>, vector<16xf32>, vector<16xf32>, vector<16xf32>, vector<16xf32>, vector<16xf32>, vector<16xf32>, vector<16xf32>, vector<16xf32>, vector<16xf32>, vector<16xf32>, vector<16xf32>, vector<16xf32>, vector<16xf32>, vector<16xf32>, vector<16xf32>, vector<16xf32>, vector<16xf32>
            }
            %add3A_634 = arith.addi %while3A_561, %min3A_620 : i32
            scf.yield %add3A_634, %while3A_561, %while3A_562, %while3A_563, %while3A_633#0, %while3A_633#1, %while3A_633#2, %while3A_633#3, %while3A_633#4, %while3A_633#5, %while3A_633#6, %while3A_633#7, %while3A_633#8, %while3A_633#9, %while3A_633#10, %while3A_633#11, %while3A_633#12, %while3A_633#13, %while3A_633#14, %while3A_633#15, %while3A_633#16, %while3A_633#17, %while3A_633#18, %while3A_633#19, %while3A_633#20, %while3A_633#21, %while3A_633#22, %while3A_633#23, %while3A_633#24, %while3A_633#25, %while3A_633#26, %while3A_633#27, %while3A_633#28, %while3A_633#29, %while3A_633#30, %while3A_633#31, %while3A_633#32, %while3A_633#33, %while3A_633#34, %while3A_633#35, %while3A_633#36, %while3A_633#37, %while3A_633#38, %while3A_633#39, %while3A_633#40, %while3A_633#41, %while3A_633#42, %while3A_633#43, %while3A_633#44, %while3A_633#45, %while3A_633#46, %while3A_633#47 : i32, i32, i32, i32, vector<16xf32>, vector<16xf32>, vector<16xf32>, vector<16xf32>, vector<16xf32>, vector<16xf32>, vector<16xf32>, vector<16xf32>, vector<16xf32>, vector<16xf32>, vector<16xf32>, vector<16xf32>, vector<16xf32>, vector<16xf32>, vector<16xf32>, vector<16xf32>, vector<16xf32>, vector<16xf32>, vector<16xf32>, vector<16xf32>, vector<16xf32>, vector<16xf32>, vector<16xf32>, vector<16xf32>, vector<16xf32>, vector<16xf32>, vector<16xf32>, vector<16xf32>, vector<16xf32>, vector<16xf32>, vector<16xf32>, vector<16xf32>, vector<16xf32>, vector<16xf32>, vector<16xf32>, vector<16xf32>, vector<16xf32>, vector<16xf32>, vector<16xf32>, vector<16xf32>, vector<16xf32>, vector<16xf32>, vector<16xf32>, vector<16xf32>, vector<16xf32>, vector<16xf32>, vector<16xf32>, vector<16xf32>
          } else {
            %gt3A_619 = arith.cmpi sgt, %while3A_563, %while3A_561 : i32
            %ge3A_620 = arith.cmpi sge, %while3A_560, %while3A_563 : i32
            %and3A_621 = arith.andi %gt3A_619, %ge3A_620 : i1
            %add3A_622 = arith.constant 64 : i32
            %add3A_623 = arith.addi %while3A_563, %add3A_622 : i32
            %lt3A_624 = arith.cmpi slt, %while3A_560, %add3A_623 : i32
            %and3A_625 = arith.andi %and3A_621, %lt3A_624 : i1
            %convert_element_type3A_626 = arith.extui %and3A_625 : i1 to i32
            %cond3A_627 = arith.constant 0 : i32
            %cond3A_628 = arith.cmpi ne, %convert_element_type3A_626, %cond3A_627 : i32
            %cond3A_629:3 = scf.if %cond3A_628 -> (i32, i32, i32) {
              %sub3A_630 = arith.constant 1 : i32
              %sub3A_631 = arith.subi %sub3A_630, %while3A_562 : i32
              %mul3A_632 = arith.constant 768 : i32
              %mul3A_633 = arith.muli %while3A_563, %mul3A_632 : i32
              %multiple_of3A_634 = tpu.assume_multiple %mul3A_633, 8 : i32
              %mul3A_635 = arith.constant 49152 : i32
              %mul3A_636 = arith.muli %sub3A_631, %mul3A_635 : i32
              %multiple_of3A_637 = tpu.assume_multiple %mul3A_636, 8 : i32
              %dma_wait3A_638 = tpu.memref_slice %arg11[%multiple_of3A_637] : memref<98304xf32, #tpu.memory_space<vmem>> -> memref<49152xf32, #tpu.memory_space<vmem>>
              %dma_wait3A_639 = tpu.memref_slice %arg2[%multiple_of3A_634] : memref<25165824xf32, #tpu.memory_space<hbm>> -> memref<49152xf32, #tpu.memory_space<hbm>>
              %dma_wait3A_640 = tpu.memref_slice %arg11[%multiple_of3A_637] : memref<98304xf32, #tpu.memory_space<vmem>> -> memref<49152xf32, #tpu.memory_space<vmem>>
              %dma_wait3A_641 = tpu.memref_slice %arg2[%multiple_of3A_634] : memref<25165824xf32, #tpu.memory_space<hbm>> -> memref<49152xf32, #tpu.memory_space<hbm>>
              tpu.wait_dma2 semaphore(%arg12 : memref<!tpu.dma_semaphore, #tpu.memory_space<semaphore_mem>>) src(%dma_wait3A_641 : memref<49152xf32, #tpu.memory_space<hbm>>) dst(%dma_wait3A_640 : memref<49152xf32, #tpu.memory_space<vmem>>)
              %add3A_642 = arith.constant 64 : i32
              %add3A_643 = arith.addi %while3A_563, %add3A_642 : i32
              %min3A = arith.constant 32704 : i32
              %min3A_644 = arith.minsi %add3A_643, %min3A : i32
              %mul3A_645 = arith.constant 768 : i32
              %mul3A_646 = arith.muli %min3A_644, %mul3A_645 : i32
              %multiple_of3A_647 = tpu.assume_multiple %mul3A_646, 8 : i32
              %mul3A_648 = arith.constant 49152 : i32
              %mul3A_649 = arith.muli %while3A_562, %mul3A_648 : i32
              %multiple_of3A_650 = tpu.assume_multiple %mul3A_649, 8 : i32
              %dma_start3A_651 = tpu.memref_slice %arg11[%multiple_of3A_650] : memref<98304xf32, #tpu.memory_space<vmem>> -> memref<49152xf32, #tpu.memory_space<vmem>>
              %dma_start3A_652 = tpu.memref_slice %arg2[%multiple_of3A_647] : memref<25165824xf32, #tpu.memory_space<hbm>> -> memref<49152xf32, #tpu.memory_space<hbm>>
              %dma_start3A_653 = tpu.memref_slice %arg11[%multiple_of3A_650] : memref<98304xf32, #tpu.memory_space<vmem>> -> memref<49152xf32, #tpu.memory_space<vmem>>
              %dma_start3A_654 = tpu.memref_slice %arg2[%multiple_of3A_647] : memref<25165824xf32, #tpu.memory_space<hbm>> -> memref<49152xf32, #tpu.memory_space<hbm>>
              tpu.enqueue_dma source(%dma_start3A_654 : memref<49152xf32, #tpu.memory_space<hbm>>) target(%dma_start3A_653 : memref<49152xf32, #tpu.memory_space<vmem>>) target_semaphore(%arg12 : memref<!tpu.dma_semaphore, #tpu.memory_space<semaphore_mem>>)
              %sub3A_655 = arith.constant 1 : i32
              %sub3A_656 = arith.subi %sub3A_655, %while3A_562 : i32
              scf.yield %while3A_563, %sub3A_656, %min3A_644 : i32, i32, i32
            } else {
              %sub3A_630 = arith.constant 1 : i32
              %sub3A_631 = arith.subi %sub3A_630, %while3A_562 : i32
              %mul3A_632 = arith.constant 768 : i32
              %mul3A_633 = arith.muli %while3A_563, %mul3A_632 : i32
              %multiple_of3A_634 = tpu.assume_multiple %mul3A_633, 8 : i32
              %mul3A_635 = arith.constant 49152 : i32
              %mul3A_636 = arith.muli %sub3A_631, %mul3A_635 : i32
              %multiple_of3A_637 = tpu.assume_multiple %mul3A_636, 8 : i32
              %dma_wait3A_638 = tpu.memref_slice %arg11[%multiple_of3A_637] : memref<98304xf32, #tpu.memory_space<vmem>> -> memref<49152xf32, #tpu.memory_space<vmem>>
              %dma_wait3A_639 = tpu.memref_slice %arg2[%multiple_of3A_634] : memref<25165824xf32, #tpu.memory_space<hbm>> -> memref<49152xf32, #tpu.memory_space<hbm>>
              %dma_wait3A_640 = tpu.memref_slice %arg11[%multiple_of3A_637] : memref<98304xf32, #tpu.memory_space<vmem>> -> memref<49152xf32, #tpu.memory_space<vmem>>
              %dma_wait3A_641 = tpu.memref_slice %arg2[%multiple_of3A_634] : memref<25165824xf32, #tpu.memory_space<hbm>> -> memref<49152xf32, #tpu.memory_space<hbm>>
              tpu.wait_dma2 semaphore(%arg12 : memref<!tpu.dma_semaphore, #tpu.memory_space<semaphore_mem>>) src(%dma_wait3A_641 : memref<49152xf32, #tpu.memory_space<hbm>>) dst(%dma_wait3A_640 : memref<49152xf32, #tpu.memory_space<vmem>>)
              %min3A = arith.constant 32704 : i32
              %min3A_642 = arith.minsi %while3A_560, %min3A : i32
              %mul3A_643 = arith.constant 768 : i32
              %mul3A_644 = arith.muli %min3A_642, %mul3A_643 : i32
              %multiple_of3A_645 = tpu.assume_multiple %mul3A_644, 8 : i32
              %sub3A_646 = arith.constant 1 : i32
              %sub3A_647 = arith.subi %sub3A_646, %while3A_562 : i32
              %mul3A_648 = arith.constant 49152 : i32
              %mul3A_649 = arith.muli %sub3A_647, %mul3A_648 : i32
              %multiple_of3A_650 = tpu.assume_multiple %mul3A_649, 8 : i32
              "tpu.region"() ({
                %run_scoped3A = tpu.sem_alloc : memref<!tpu.dma_semaphore, #tpu.memory_space<semaphore_mem>>
                %dma_start3A_667 = tpu.memref_slice %arg11[%multiple_of3A_650] : memref<98304xf32, #tpu.memory_space<vmem>> -> memref<49152xf32, #tpu.memory_space<vmem>>
                %dma_start3A_668 = tpu.memref_slice %arg2[%multiple_of3A_645] : memref<25165824xf32, #tpu.memory_space<hbm>> -> memref<49152xf32, #tpu.memory_space<hbm>>
                %dma_start3A_669 = tpu.memref_slice %arg11[%multiple_of3A_650] : memref<98304xf32, #tpu.memory_space<vmem>> -> memref<49152xf32, #tpu.memory_space<vmem>>
                %dma_start3A_670 = tpu.memref_slice %arg2[%multiple_of3A_645] : memref<25165824xf32, #tpu.memory_space<hbm>> -> memref<49152xf32, #tpu.memory_space<hbm>>
                tpu.enqueue_dma source(%dma_start3A_670 : memref<49152xf32, #tpu.memory_space<hbm>>) target(%dma_start3A_669 : memref<49152xf32, #tpu.memory_space<vmem>>) target_semaphore(%run_scoped3A : memref<!tpu.dma_semaphore, #tpu.memory_space<semaphore_mem>>)
                %dma_wait3A_671 = tpu.memref_slice %arg11[%multiple_of3A_650] : memref<98304xf32, #tpu.memory_space<vmem>> -> memref<49152xf32, #tpu.memory_space<vmem>>
                %dma_wait3A_672 = tpu.memref_slice %arg2[%multiple_of3A_645] : memref<25165824xf32, #tpu.memory_space<hbm>> -> memref<49152xf32, #tpu.memory_space<hbm>>
                %dma_wait3A_673 = tpu.memref_slice %arg11[%multiple_of3A_650] : memref<98304xf32, #tpu.memory_space<vmem>> -> memref<49152xf32, #tpu.memory_space<vmem>>
                %dma_wait3A_674 = tpu.memref_slice %arg2[%multiple_of3A_645] : memref<25165824xf32, #tpu.memory_space<hbm>> -> memref<49152xf32, #tpu.memory_space<hbm>>
                tpu.wait_dma2 semaphore(%run_scoped3A : memref<!tpu.dma_semaphore, #tpu.memory_space<semaphore_mem>>) src(%dma_wait3A_674 : memref<49152xf32, #tpu.memory_space<hbm>>) dst(%dma_wait3A_673 : memref<49152xf32, #tpu.memory_space<vmem>>)
                tpu.yield
              }) : () -> ()
              %add3A_651 = arith.constant 64 : i32
              %add3A_652 = arith.addi %min3A_642, %add3A_651 : i32
              %min3A_653 = arith.constant 32704 : i32
              %min3A_654 = arith.minsi %add3A_652, %min3A_653 : i32
              %mul3A_655 = arith.constant 768 : i32
              %mul3A_656 = arith.muli %min3A_654, %mul3A_655 : i32
              %multiple_of3A_657 = tpu.assume_multiple %mul3A_656, 8 : i32
              %mul3A_658 = arith.constant 49152 : i32
              %mul3A_659 = arith.muli %while3A_562, %mul3A_658 : i32
              %multiple_of3A_660 = tpu.assume_multiple %mul3A_659, 8 : i32
              %dma_start3A_661 = tpu.memref_slice %arg11[%multiple_of3A_660] : memref<98304xf32, #tpu.memory_space<vmem>> -> memref<49152xf32, #tpu.memory_space<vmem>>
              %dma_start3A_662 = tpu.memref_slice %arg2[%multiple_of3A_657] : memref<25165824xf32, #tpu.memory_space<hbm>> -> memref<49152xf32, #tpu.memory_space<hbm>>
              %dma_start3A_663 = tpu.memref_slice %arg11[%multiple_of3A_660] : memref<98304xf32, #tpu.memory_space<vmem>> -> memref<49152xf32, #tpu.memory_space<vmem>>
              %dma_start3A_664 = tpu.memref_slice %arg2[%multiple_of3A_657] : memref<25165824xf32, #tpu.memory_space<hbm>> -> memref<49152xf32, #tpu.memory_space<hbm>>
              tpu.enqueue_dma source(%dma_start3A_664 : memref<49152xf32, #tpu.memory_space<hbm>>) target(%dma_start3A_663 : memref<49152xf32, #tpu.memory_space<vmem>>) target_semaphore(%arg12 : memref<!tpu.dma_semaphore, #tpu.memory_space<semaphore_mem>>)
              %sub3A_665 = arith.constant 1 : i32
              %sub3A_666 = arith.subi %sub3A_665, %while3A_562 : i32
              scf.yield %min3A_642, %sub3A_666, %min3A_654 : i32, i32, i32
            }
            scf.yield %while3A_560, %cond3A_629#0, %cond3A_629#1, %cond3A_629#2, %while3A_564, %while3A_565, %while3A_566, %while3A_567, %while3A_568, %while3A_569, %while3A_570, %while3A_571, %while3A_572, %while3A_573, %while3A_574, %while3A_575, %while3A_576, %while3A_577, %while3A_578, %while3A_579, %while3A_580, %while3A_581, %while3A_582, %while3A_583, %while3A_584, %while3A_585, %while3A_586, %while3A_587, %while3A_588, %while3A_589, %while3A_590, %while3A_591, %while3A_592, %while3A_593, %while3A_594, %while3A_595, %while3A_596, %while3A_597, %while3A_598, %while3A_599, %while3A_600, %while3A_601, %while3A_602, %while3A_603, %while3A_604, %while3A_605, %while3A_606, %while3A_607, %while3A_608, %while3A_609, %while3A_610, %while3A_611 : i32, i32, i32, i32, vector<16xf32>, vector<16xf32>, vector<16xf32>, vector<16xf32>, vector<16xf32>, vector<16xf32>, vector<16xf32>, vector<16xf32>, vector<16xf32>, vector<16xf32>, vector<16xf32>, vector<16xf32>, vector<16xf32>, vector<16xf32>, vector<16xf32>, vector<16xf32>, vector<16xf32>, vector<16xf32>, vector<16xf32>, vector<16xf32>, vector<16xf32>, vector<16xf32>, vector<16xf32>, vector<16xf32>, vector<16xf32>, vector<16xf32>, vector<16xf32>, vector<16xf32>, vector<16xf32>, vector<16xf32>, vector<16xf32>, vector<16xf32>, vector<16xf32>, vector<16xf32>, vector<16xf32>, vector<16xf32>, vector<16xf32>, vector<16xf32>, vector<16xf32>, vector<16xf32>, vector<16xf32>, vector<16xf32>, vector<16xf32>, vector<16xf32>, vector<16xf32>, vector<16xf32>, vector<16xf32>, vector<16xf32>
          }
          scf.yield %cond3A_618#0, %cond3A_618#1, %cond3A_618#2, %cond3A_618#3, %cond3A_618#4, %cond3A_618#5, %cond3A_618#6, %cond3A_618#7, %cond3A_618#8, %cond3A_618#9, %cond3A_618#10, %cond3A_618#11, %cond3A_618#12, %cond3A_618#13, %cond3A_618#14, %cond3A_618#15, %cond3A_618#16, %cond3A_618#17, %cond3A_618#18, %cond3A_618#19, %cond3A_618#20, %cond3A_618#21, %cond3A_618#22, %cond3A_618#23, %cond3A_618#24, %cond3A_618#25, %cond3A_618#26, %cond3A_618#27, %cond3A_618#28, %cond3A_618#29, %cond3A_618#30, %cond3A_618#31, %cond3A_618#32, %cond3A_618#33, %cond3A_618#34, %cond3A_618#35, %cond3A_618#36, %cond3A_618#37, %cond3A_618#38, %cond3A_618#39, %cond3A_618#40, %cond3A_618#41, %cond3A_618#42, %cond3A_618#43, %cond3A_618#44, %cond3A_618#45, %cond3A_618#46, %cond3A_618#47, %cond3A_618#48, %cond3A_618#49, %cond3A_618#50, %cond3A_618#51 : i32, i32, i32, i32, vector<16xf32>, vector<16xf32>, vector<16xf32>, vector<16xf32>, vector<16xf32>, vector<16xf32>, vector<16xf32>, vector<16xf32>, vector<16xf32>, vector<16xf32>, vector<16xf32>, vector<16xf32>, vector<16xf32>, vector<16xf32>, vector<16xf32>, vector<16xf32>, vector<16xf32>, vector<16xf32>, vector<16xf32>, vector<16xf32>, vector<16xf32>, vector<16xf32>, vector<16xf32>, vector<16xf32>, vector<16xf32>, vector<16xf32>, vector<16xf32>, vector<16xf32>, vector<16xf32>, vector<16xf32>, vector<16xf32>, vector<16xf32>, vector<16xf32>, vector<16xf32>, vector<16xf32>, vector<16xf32>, vector<16xf32>, vector<16xf32>, vector<16xf32>, vector<16xf32>, vector<16xf32>, vector<16xf32>, vector<16xf32>, vector<16xf32>, vector<16xf32>, vector<16xf32>, vector<16xf32>, vector<16xf32>
        }
        %mul3A_78 = arith.constant 768 : i32
        %mul3A_79 = arith.muli %and3A_76, %mul3A_78 : i32
        %mul3A_80 = arith.constant 768 : i32
        %mul3A_81 = arith.muli %scan3A_61, %mul3A_80 : i32
        %mul3A_82 = arith.mulf %while3A#4, %gather3A_68 : vector<16xf32>
        %add3A_83 = arith.constant 0 : i32
        %add3A_84 = arith.addi %mul3A_79, %add3A_83 : i32
        %get3A = arith.index_cast %add3A_84 : i32 to index
        %get3A_85 = tpu.vector_load %arg9[%get3A] {strides = array<i32>} : memref<24576xf32, #tpu.memory_space<vmem>>, vector<16xf32>,
        %add3A_86 = arith.addf %mul3A_82, %get3A_85 : vector<16xf32>
        %mul3A_87 = arith.mulf %while3A#5, %gather3A_68 : vector<16xf32>
        %add3A_88 = arith.constant 16 : i32
        %add3A_89 = arith.addi %mul3A_79, %add3A_88 : i32
        %get3A_90 = arith.index_cast %add3A_89 : i32 to index
        %get3A_91 = tpu.vector_load %arg9[%get3A_90] {strides = array<i32>} : memref<24576xf32, #tpu.memory_space<vmem>>, vector<16xf32>,
        %add3A_92 = arith.addf %mul3A_87, %get3A_91 : vector<16xf32>
        %mul3A_93 = arith.mulf %while3A#6, %gather3A_68 : vector<16xf32>
        %add3A_94 = arith.constant 32 : i32
        %add3A_95 = arith.addi %mul3A_79, %add3A_94 : i32
        %get3A_96 = arith.index_cast %add3A_95 : i32 to index
        %get3A_97 = tpu.vector_load %arg9[%get3A_96] {strides = array<i32>} : memref<24576xf32, #tpu.memory_space<vmem>>, vector<16xf32>,
        %add3A_98 = arith.addf %mul3A_93, %get3A_97 : vector<16xf32>
        %mul3A_99 = arith.mulf %while3A#7, %gather3A_68 : vector<16xf32>
        %add3A_100 = arith.constant 48 : i32
        %add3A_101 = arith.addi %mul3A_79, %add3A_100 : i32
        %get3A_102 = arith.index_cast %add3A_101 : i32 to index
        %get3A_103 = tpu.vector_load %arg9[%get3A_102] {strides = array<i32>} : memref<24576xf32, #tpu.memory_space<vmem>>, vector<16xf32>,
        %add3A_104 = arith.addf %mul3A_99, %get3A_103 : vector<16xf32>
        %mul3A_105 = arith.mulf %while3A#8, %gather3A_68 : vector<16xf32>
        %add3A_106 = arith.constant 64 : i32
        %add3A_107 = arith.addi %mul3A_79, %add3A_106 : i32
        %get3A_108 = arith.index_cast %add3A_107 : i32 to index
        %get3A_109 = tpu.vector_load %arg9[%get3A_108] {strides = array<i32>} : memref<24576xf32, #tpu.memory_space<vmem>>, vector<16xf32>,
        %add3A_110 = arith.addf %mul3A_105, %get3A_109 : vector<16xf32>
        %mul3A_111 = arith.mulf %while3A#9, %gather3A_68 : vector<16xf32>
        %add3A_112 = arith.constant 80 : i32
        %add3A_113 = arith.addi %mul3A_79, %add3A_112 : i32
        %get3A_114 = arith.index_cast %add3A_113 : i32 to index
        %get3A_115 = tpu.vector_load %arg9[%get3A_114] {strides = array<i32>} : memref<24576xf32, #tpu.memory_space<vmem>>, vector<16xf32>,
        %add3A_116 = arith.addf %mul3A_111, %get3A_115 : vector<16xf32>
        %mul3A_117 = arith.mulf %while3A#10, %gather3A_68 : vector<16xf32>
        %add3A_118 = arith.constant 96 : i32
        %add3A_119 = arith.addi %mul3A_79, %add3A_118 : i32
        %get3A_120 = arith.index_cast %add3A_119 : i32 to index
        %get3A_121 = tpu.vector_load %arg9[%get3A_120] {strides = array<i32>} : memref<24576xf32, #tpu.memory_space<vmem>>, vector<16xf32>,
        %add3A_122 = arith.addf %mul3A_117, %get3A_121 : vector<16xf32>
        %mul3A_123 = arith.mulf %while3A#11, %gather3A_68 : vector<16xf32>
        %add3A_124 = arith.constant 112 : i32
        %add3A_125 = arith.addi %mul3A_79, %add3A_124 : i32
        %get3A_126 = arith.index_cast %add3A_125 : i32 to index
        %get3A_127 = tpu.vector_load %arg9[%get3A_126] {strides = array<i32>} : memref<24576xf32, #tpu.memory_space<vmem>>, vector<16xf32>,
        %add3A_128 = arith.addf %mul3A_123, %get3A_127 : vector<16xf32>
        %mul3A_129 = arith.mulf %while3A#12, %gather3A_68 : vector<16xf32>
        %add3A_130 = arith.constant 128 : i32
        %add3A_131 = arith.addi %mul3A_79, %add3A_130 : i32
        %get3A_132 = arith.index_cast %add3A_131 : i32 to index
        %get3A_133 = tpu.vector_load %arg9[%get3A_132] {strides = array<i32>} : memref<24576xf32, #tpu.memory_space<vmem>>, vector<16xf32>,
        %add3A_134 = arith.addf %mul3A_129, %get3A_133 : vector<16xf32>
        %mul3A_135 = arith.mulf %while3A#13, %gather3A_68 : vector<16xf32>
        %add3A_136 = arith.constant 144 : i32
        %add3A_137 = arith.addi %mul3A_79, %add3A_136 : i32
        %get3A_138 = arith.index_cast %add3A_137 : i32 to index
        %get3A_139 = tpu.vector_load %arg9[%get3A_138] {strides = array<i32>} : memref<24576xf32, #tpu.memory_space<vmem>>, vector<16xf32>,
        %add3A_140 = arith.addf %mul3A_135, %get3A_139 : vector<16xf32>
        %mul3A_141 = arith.mulf %while3A#14, %gather3A_68 : vector<16xf32>
        %add3A_142 = arith.constant 160 : i32
        %add3A_143 = arith.addi %mul3A_79, %add3A_142 : i32
        %get3A_144 = arith.index_cast %add3A_143 : i32 to index
        %get3A_145 = tpu.vector_load %arg9[%get3A_144] {strides = array<i32>} : memref<24576xf32, #tpu.memory_space<vmem>>, vector<16xf32>,
        %add3A_146 = arith.addf %mul3A_141, %get3A_145 : vector<16xf32>
        %mul3A_147 = arith.mulf %while3A#15, %gather3A_68 : vector<16xf32>
        %add3A_148 = arith.constant 176 : i32
        %add3A_149 = arith.addi %mul3A_79, %add3A_148 : i32
        %get3A_150 = arith.index_cast %add3A_149 : i32 to index
        %get3A_151 = tpu.vector_load %arg9[%get3A_150] {strides = array<i32>} : memref<24576xf32, #tpu.memory_space<vmem>>, vector<16xf32>,
        %add3A_152 = arith.addf %mul3A_147, %get3A_151 : vector<16xf32>
        %mul3A_153 = arith.mulf %while3A#16, %gather3A_68 : vector<16xf32>
        %add3A_154 = arith.constant 192 : i32
        %add3A_155 = arith.addi %mul3A_79, %add3A_154 : i32
        %get3A_156 = arith.index_cast %add3A_155 : i32 to index
        %get3A_157 = tpu.vector_load %arg9[%get3A_156] {strides = array<i32>} : memref<24576xf32, #tpu.memory_space<vmem>>, vector<16xf32>,
        %add3A_158 = arith.addf %mul3A_153, %get3A_157 : vector<16xf32>
        %mul3A_159 = arith.mulf %while3A#17, %gather3A_68 : vector<16xf32>
        %add3A_160 = arith.constant 208 : i32
        %add3A_161 = arith.addi %mul3A_79, %add3A_160 : i32
        %get3A_162 = arith.index_cast %add3A_161 : i32 to index
        %get3A_163 = tpu.vector_load %arg9[%get3A_162] {strides = array<i32>} : memref<24576xf32, #tpu.memory_space<vmem>>, vector<16xf32>,
        %add3A_164 = arith.addf %mul3A_159, %get3A_163 : vector<16xf32>
        %mul3A_165 = arith.mulf %while3A#18, %gather3A_68 : vector<16xf32>
        %add3A_166 = arith.constant 224 : i32
        %add3A_167 = arith.addi %mul3A_79, %add3A_166 : i32
        %get3A_168 = arith.index_cast %add3A_167 : i32 to index
        %get3A_169 = tpu.vector_load %arg9[%get3A_168] {strides = array<i32>} : memref<24576xf32, #tpu.memory_space<vmem>>, vector<16xf32>,
        %add3A_170 = arith.addf %mul3A_165, %get3A_169 : vector<16xf32>
        %mul3A_171 = arith.mulf %while3A#19, %gather3A_68 : vector<16xf32>
        %add3A_172 = arith.constant 240 : i32
        %add3A_173 = arith.addi %mul3A_79, %add3A_172 : i32
        %get3A_174 = arith.index_cast %add3A_173 : i32 to index
        %get3A_175 = tpu.vector_load %arg9[%get3A_174] {strides = array<i32>} : memref<24576xf32, #tpu.memory_space<vmem>>, vector<16xf32>,
        %add3A_176 = arith.addf %mul3A_171, %get3A_175 : vector<16xf32>
        %mul3A_177 = arith.mulf %while3A#20, %gather3A_68 : vector<16xf32>
        %add3A_178 = arith.constant 256 : i32
        %add3A_179 = arith.addi %mul3A_79, %add3A_178 : i32
        %get3A_180 = arith.index_cast %add3A_179 : i32 to index
        %get3A_181 = tpu.vector_load %arg9[%get3A_180] {strides = array<i32>} : memref<24576xf32, #tpu.memory_space<vmem>>, vector<16xf32>,
        %add3A_182 = arith.addf %mul3A_177, %get3A_181 : vector<16xf32>
        %mul3A_183 = arith.mulf %while3A#21, %gather3A_68 : vector<16xf32>
        %add3A_184 = arith.constant 272 : i32
        %add3A_185 = arith.addi %mul3A_79, %add3A_184 : i32
        %get3A_186 = arith.index_cast %add3A_185 : i32 to index
        %get3A_187 = tpu.vector_load %arg9[%get3A_186] {strides = array<i32>} : memref<24576xf32, #tpu.memory_space<vmem>>, vector<16xf32>,
        %add3A_188 = arith.addf %mul3A_183, %get3A_187 : vector<16xf32>
        %mul3A_189 = arith.mulf %while3A#22, %gather3A_68 : vector<16xf32>
        %add3A_190 = arith.constant 288 : i32
        %add3A_191 = arith.addi %mul3A_79, %add3A_190 : i32
        %get3A_192 = arith.index_cast %add3A_191 : i32 to index
        %get3A_193 = tpu.vector_load %arg9[%get3A_192] {strides = array<i32>} : memref<24576xf32, #tpu.memory_space<vmem>>, vector<16xf32>,
        %add3A_194 = arith.addf %mul3A_189, %get3A_193 : vector<16xf32>
        %mul3A_195 = arith.mulf %while3A#23, %gather3A_68 : vector<16xf32>
        %add3A_196 = arith.constant 304 : i32
        %add3A_197 = arith.addi %mul3A_79, %add3A_196 : i32
        %get3A_198 = arith.index_cast %add3A_197 : i32 to index
        %get3A_199 = tpu.vector_load %arg9[%get3A_198] {strides = array<i32>} : memref<24576xf32, #tpu.memory_space<vmem>>, vector<16xf32>,
        %add3A_200 = arith.addf %mul3A_195, %get3A_199 : vector<16xf32>
        %mul3A_201 = arith.mulf %while3A#24, %gather3A_68 : vector<16xf32>
        %add3A_202 = arith.constant 320 : i32
        %add3A_203 = arith.addi %mul3A_79, %add3A_202 : i32
        %get3A_204 = arith.index_cast %add3A_203 : i32 to index
        %get3A_205 = tpu.vector_load %arg9[%get3A_204] {strides = array<i32>} : memref<24576xf32, #tpu.memory_space<vmem>>, vector<16xf32>,
        %add3A_206 = arith.addf %mul3A_201, %get3A_205 : vector<16xf32>
        %mul3A_207 = arith.mulf %while3A#25, %gather3A_68 : vector<16xf32>
        %add3A_208 = arith.constant 336 : i32
        %add3A_209 = arith.addi %mul3A_79, %add3A_208 : i32
        %get3A_210 = arith.index_cast %add3A_209 : i32 to index
        %get3A_211 = tpu.vector_load %arg9[%get3A_210] {strides = array<i32>} : memref<24576xf32, #tpu.memory_space<vmem>>, vector<16xf32>,
        %add3A_212 = arith.addf %mul3A_207, %get3A_211 : vector<16xf32>
        %mul3A_213 = arith.mulf %while3A#26, %gather3A_68 : vector<16xf32>
        %add3A_214 = arith.constant 352 : i32
        %add3A_215 = arith.addi %mul3A_79, %add3A_214 : i32
        %get3A_216 = arith.index_cast %add3A_215 : i32 to index
        %get3A_217 = tpu.vector_load %arg9[%get3A_216] {strides = array<i32>} : memref<24576xf32, #tpu.memory_space<vmem>>, vector<16xf32>,
        %add3A_218 = arith.addf %mul3A_213, %get3A_217 : vector<16xf32>
        %mul3A_219 = arith.mulf %while3A#27, %gather3A_68 : vector<16xf32>
        %add3A_220 = arith.constant 368 : i32
        %add3A_221 = arith.addi %mul3A_79, %add3A_220 : i32
        %get3A_222 = arith.index_cast %add3A_221 : i32 to index
        %get3A_223 = tpu.vector_load %arg9[%get3A_222] {strides = array<i32>} : memref<24576xf32, #tpu.memory_space<vmem>>, vector<16xf32>,
        %add3A_224 = arith.addf %mul3A_219, %get3A_223 : vector<16xf32>
        %mul3A_225 = arith.mulf %while3A#28, %gather3A_68 : vector<16xf32>
        %add3A_226 = arith.constant 384 : i32
        %add3A_227 = arith.addi %mul3A_79, %add3A_226 : i32
        %get3A_228 = arith.index_cast %add3A_227 : i32 to index
        %get3A_229 = tpu.vector_load %arg9[%get3A_228] {strides = array<i32>} : memref<24576xf32, #tpu.memory_space<vmem>>, vector<16xf32>,
        %add3A_230 = arith.addf %mul3A_225, %get3A_229 : vector<16xf32>
        %mul3A_231 = arith.mulf %while3A#29, %gather3A_68 : vector<16xf32>
        %add3A_232 = arith.constant 400 : i32
        %add3A_233 = arith.addi %mul3A_79, %add3A_232 : i32
        %get3A_234 = arith.index_cast %add3A_233 : i32 to index
        %get3A_235 = tpu.vector_load %arg9[%get3A_234] {strides = array<i32>} : memref<24576xf32, #tpu.memory_space<vmem>>, vector<16xf32>,
        %add3A_236 = arith.addf %mul3A_231, %get3A_235 : vector<16xf32>
        %mul3A_237 = arith.mulf %while3A#30, %gather3A_68 : vector<16xf32>
        %add3A_238 = arith.constant 416 : i32
        %add3A_239 = arith.addi %mul3A_79, %add3A_238 : i32
        %get3A_240 = arith.index_cast %add3A_239 : i32 to index
        %get3A_241 = tpu.vector_load %arg9[%get3A_240] {strides = array<i32>} : memref<24576xf32, #tpu.memory_space<vmem>>, vector<16xf32>,
        %add3A_242 = arith.addf %mul3A_237, %get3A_241 : vector<16xf32>
        %mul3A_243 = arith.mulf %while3A#31, %gather3A_68 : vector<16xf32>
        %add3A_244 = arith.constant 432 : i32
        %add3A_245 = arith.addi %mul3A_79, %add3A_244 : i32
        %get3A_246 = arith.index_cast %add3A_245 : i32 to index
        %get3A_247 = tpu.vector_load %arg9[%get3A_246] {strides = array<i32>} : memref<24576xf32, #tpu.memory_space<vmem>>, vector<16xf32>,
        %add3A_248 = arith.addf %mul3A_243, %get3A_247 : vector<16xf32>
        %mul3A_249 = arith.mulf %while3A#32, %gather3A_68 : vector<16xf32>
        %add3A_250 = arith.constant 448 : i32
        %add3A_251 = arith.addi %mul3A_79, %add3A_250 : i32
        %get3A_252 = arith.index_cast %add3A_251 : i32 to index
        %get3A_253 = tpu.vector_load %arg9[%get3A_252] {strides = array<i32>} : memref<24576xf32, #tpu.memory_space<vmem>>, vector<16xf32>,
        %add3A_254 = arith.addf %mul3A_249, %get3A_253 : vector<16xf32>
        %mul3A_255 = arith.mulf %while3A#33, %gather3A_68 : vector<16xf32>
        %add3A_256 = arith.constant 464 : i32
        %add3A_257 = arith.addi %mul3A_79, %add3A_256 : i32
        %get3A_258 = arith.index_cast %add3A_257 : i32 to index
        %get3A_259 = tpu.vector_load %arg9[%get3A_258] {strides = array<i32>} : memref<24576xf32, #tpu.memory_space<vmem>>, vector<16xf32>,
        %add3A_260 = arith.addf %mul3A_255, %get3A_259 : vector<16xf32>
        %mul3A_261 = arith.mulf %while3A#34, %gather3A_68 : vector<16xf32>
        %add3A_262 = arith.constant 480 : i32
        %add3A_263 = arith.addi %mul3A_79, %add3A_262 : i32
        %get3A_264 = arith.index_cast %add3A_263 : i32 to index
        %get3A_265 = tpu.vector_load %arg9[%get3A_264] {strides = array<i32>} : memref<24576xf32, #tpu.memory_space<vmem>>, vector<16xf32>,
        %add3A_266 = arith.addf %mul3A_261, %get3A_265 : vector<16xf32>
        %mul3A_267 = arith.mulf %while3A#35, %gather3A_68 : vector<16xf32>
        %add3A_268 = arith.constant 496 : i32
        %add3A_269 = arith.addi %mul3A_79, %add3A_268 : i32
        %get3A_270 = arith.index_cast %add3A_269 : i32 to index
        %get3A_271 = tpu.vector_load %arg9[%get3A_270] {strides = array<i32>} : memref<24576xf32, #tpu.memory_space<vmem>>, vector<16xf32>,
        %add3A_272 = arith.addf %mul3A_267, %get3A_271 : vector<16xf32>
        %mul3A_273 = arith.mulf %while3A#36, %gather3A_68 : vector<16xf32>
        %add3A_274 = arith.constant 512 : i32
        %add3A_275 = arith.addi %mul3A_79, %add3A_274 : i32
        %get3A_276 = arith.index_cast %add3A_275 : i32 to index
        %get3A_277 = tpu.vector_load %arg9[%get3A_276] {strides = array<i32>} : memref<24576xf32, #tpu.memory_space<vmem>>, vector<16xf32>,
        %add3A_278 = arith.addf %mul3A_273, %get3A_277 : vector<16xf32>
        %mul3A_279 = arith.mulf %while3A#37, %gather3A_68 : vector<16xf32>
        %add3A_280 = arith.constant 528 : i32
        %add3A_281 = arith.addi %mul3A_79, %add3A_280 : i32
        %get3A_282 = arith.index_cast %add3A_281 : i32 to index
        %get3A_283 = tpu.vector_load %arg9[%get3A_282] {strides = array<i32>} : memref<24576xf32, #tpu.memory_space<vmem>>, vector<16xf32>,
        %add3A_284 = arith.addf %mul3A_279, %get3A_283 : vector<16xf32>
        %mul3A_285 = arith.mulf %while3A#38, %gather3A_68 : vector<16xf32>
        %add3A_286 = arith.constant 544 : i32
        %add3A_287 = arith.addi %mul3A_79, %add3A_286 : i32
        %get3A_288 = arith.index_cast %add3A_287 : i32 to index
        %get3A_289 = tpu.vector_load %arg9[%get3A_288] {strides = array<i32>} : memref<24576xf32, #tpu.memory_space<vmem>>, vector<16xf32>,
        %add3A_290 = arith.addf %mul3A_285, %get3A_289 : vector<16xf32>
        %mul3A_291 = arith.mulf %while3A#39, %gather3A_68 : vector<16xf32>
        %add3A_292 = arith.constant 560 : i32
        %add3A_293 = arith.addi %mul3A_79, %add3A_292 : i32
        %get3A_294 = arith.index_cast %add3A_293 : i32 to index
        %get3A_295 = tpu.vector_load %arg9[%get3A_294] {strides = array<i32>} : memref<24576xf32, #tpu.memory_space<vmem>>, vector<16xf32>,
        %add3A_296 = arith.addf %mul3A_291, %get3A_295 : vector<16xf32>
        %mul3A_297 = arith.mulf %while3A#40, %gather3A_68 : vector<16xf32>
        %add3A_298 = arith.constant 576 : i32
        %add3A_299 = arith.addi %mul3A_79, %add3A_298 : i32
        %get3A_300 = arith.index_cast %add3A_299 : i32 to index
        %get3A_301 = tpu.vector_load %arg9[%get3A_300] {strides = array<i32>} : memref<24576xf32, #tpu.memory_space<vmem>>, vector<16xf32>,
        %add3A_302 = arith.addf %mul3A_297, %get3A_301 : vector<16xf32>
        %mul3A_303 = arith.mulf %while3A#41, %gather3A_68 : vector<16xf32>
        %add3A_304 = arith.constant 592 : i32
        %add3A_305 = arith.addi %mul3A_79, %add3A_304 : i32
        %get3A_306 = arith.index_cast %add3A_305 : i32 to index
        %get3A_307 = tpu.vector_load %arg9[%get3A_306] {strides = array<i32>} : memref<24576xf32, #tpu.memory_space<vmem>>, vector<16xf32>,
        %add3A_308 = arith.addf %mul3A_303, %get3A_307 : vector<16xf32>
        %mul3A_309 = arith.mulf %while3A#42, %gather3A_68 : vector<16xf32>
        %add3A_310 = arith.constant 608 : i32
        %add3A_311 = arith.addi %mul3A_79, %add3A_310 : i32
        %get3A_312 = arith.index_cast %add3A_311 : i32 to index
        %get3A_313 = tpu.vector_load %arg9[%get3A_312] {strides = array<i32>} : memref<24576xf32, #tpu.memory_space<vmem>>, vector<16xf32>,
        %add3A_314 = arith.addf %mul3A_309, %get3A_313 : vector<16xf32>
        %mul3A_315 = arith.mulf %while3A#43, %gather3A_68 : vector<16xf32>
        %add3A_316 = arith.constant 624 : i32
        %add3A_317 = arith.addi %mul3A_79, %add3A_316 : i32
        %get3A_318 = arith.index_cast %add3A_317 : i32 to index
        %get3A_319 = tpu.vector_load %arg9[%get3A_318] {strides = array<i32>} : memref<24576xf32, #tpu.memory_space<vmem>>, vector<16xf32>,
        %add3A_320 = arith.addf %mul3A_315, %get3A_319 : vector<16xf32>
        %mul3A_321 = arith.mulf %while3A#44, %gather3A_68 : vector<16xf32>
        %add3A_322 = arith.constant 640 : i32
        %add3A_323 = arith.addi %mul3A_79, %add3A_322 : i32
        %get3A_324 = arith.index_cast %add3A_323 : i32 to index
        %get3A_325 = tpu.vector_load %arg9[%get3A_324] {strides = array<i32>} : memref<24576xf32, #tpu.memory_space<vmem>>, vector<16xf32>,
        %add3A_326 = arith.addf %mul3A_321, %get3A_325 : vector<16xf32>
        %mul3A_327 = arith.mulf %while3A#45, %gather3A_68 : vector<16xf32>
        %add3A_328 = arith.constant 656 : i32
        %add3A_329 = arith.addi %mul3A_79, %add3A_328 : i32
        %get3A_330 = arith.index_cast %add3A_329 : i32 to index
        %get3A_331 = tpu.vector_load %arg9[%get3A_330] {strides = array<i32>} : memref<24576xf32, #tpu.memory_space<vmem>>, vector<16xf32>,
        %add3A_332 = arith.addf %mul3A_327, %get3A_331 : vector<16xf32>
        %mul3A_333 = arith.mulf %while3A#46, %gather3A_68 : vector<16xf32>
        %add3A_334 = arith.constant 672 : i32
        %add3A_335 = arith.addi %mul3A_79, %add3A_334 : i32
        %get3A_336 = arith.index_cast %add3A_335 : i32 to index
        %get3A_337 = tpu.vector_load %arg9[%get3A_336] {strides = array<i32>} : memref<24576xf32, #tpu.memory_space<vmem>>, vector<16xf32>,
        %add3A_338 = arith.addf %mul3A_333, %get3A_337 : vector<16xf32>
        %mul3A_339 = arith.mulf %while3A#47, %gather3A_68 : vector<16xf32>
        %add3A_340 = arith.constant 688 : i32
        %add3A_341 = arith.addi %mul3A_79, %add3A_340 : i32
        %get3A_342 = arith.index_cast %add3A_341 : i32 to index
        %get3A_343 = tpu.vector_load %arg9[%get3A_342] {strides = array<i32>} : memref<24576xf32, #tpu.memory_space<vmem>>, vector<16xf32>,
        %add3A_344 = arith.addf %mul3A_339, %get3A_343 : vector<16xf32>
        %mul3A_345 = arith.mulf %while3A#48, %gather3A_68 : vector<16xf32>
        %add3A_346 = arith.constant 704 : i32
        %add3A_347 = arith.addi %mul3A_79, %add3A_346 : i32
        %get3A_348 = arith.index_cast %add3A_347 : i32 to index
        %get3A_349 = tpu.vector_load %arg9[%get3A_348] {strides = array<i32>} : memref<24576xf32, #tpu.memory_space<vmem>>, vector<16xf32>,
        %add3A_350 = arith.addf %mul3A_345, %get3A_349 : vector<16xf32>
        %mul3A_351 = arith.mulf %while3A#49, %gather3A_68 : vector<16xf32>
        %add3A_352 = arith.constant 720 : i32
        %add3A_353 = arith.addi %mul3A_79, %add3A_352 : i32
        %get3A_354 = arith.index_cast %add3A_353 : i32 to index
        %get3A_355 = tpu.vector_load %arg9[%get3A_354] {strides = array<i32>} : memref<24576xf32, #tpu.memory_space<vmem>>, vector<16xf32>,
        %add3A_356 = arith.addf %mul3A_351, %get3A_355 : vector<16xf32>
        %mul3A_357 = arith.mulf %while3A#50, %gather3A_68 : vector<16xf32>
        %add3A_358 = arith.constant 736 : i32
        %add3A_359 = arith.addi %mul3A_79, %add3A_358 : i32
        %get3A_360 = arith.index_cast %add3A_359 : i32 to index
        %get3A_361 = tpu.vector_load %arg9[%get3A_360] {strides = array<i32>} : memref<24576xf32, #tpu.memory_space<vmem>>, vector<16xf32>,
        %add3A_362 = arith.addf %mul3A_357, %get3A_361 : vector<16xf32>
        %mul3A_363 = arith.mulf %while3A#51, %gather3A_68 : vector<16xf32>
        %add3A_364 = arith.constant 752 : i32
        %add3A_365 = arith.addi %mul3A_79, %add3A_364 : i32
        %get3A_366 = arith.index_cast %add3A_365 : i32 to index
        %get3A_367 = tpu.vector_load %arg9[%get3A_366] {strides = array<i32>} : memref<24576xf32, #tpu.memory_space<vmem>>, vector<16xf32>,
        %add3A_368 = arith.addf %mul3A_363, %get3A_367 : vector<16xf32>
        %add3A_369 = arith.constant 0 : i32
        %add3A_370 = arith.addi %mul3A_81, %add3A_369 : i32
        %swap3A = arith.index_cast %add3A_370 : i32 to index
        %swap3A_371 = tpu.vector_load %arg10[%swap3A] {strides = array<i32>} : memref<6144xf32, #tpu.memory_space<vmem>>, vector<16xf32>,
        tpu.vector_store %arg10[%swap3A], %add3A_86 {strides = array<i32>} : memref<6144xf32, #tpu.memory_space<vmem>>, vector<16xf32>,
        %add3A_372 = arith.constant 16 : i32
        %add3A_373 = arith.addi %mul3A_81, %add3A_372 : i32
        %swap3A_374 = arith.index_cast %add3A_373 : i32 to index
        %swap3A_375 = tpu.vector_load %arg10[%swap3A_374] {strides = array<i32>} : memref<6144xf32, #tpu.memory_space<vmem>>, vector<16xf32>,
        tpu.vector_store %arg10[%swap3A_374], %add3A_92 {strides = array<i32>} : memref<6144xf32, #tpu.memory_space<vmem>>, vector<16xf32>,
        %add3A_376 = arith.constant 32 : i32
        %add3A_377 = arith.addi %mul3A_81, %add3A_376 : i32
        %swap3A_378 = arith.index_cast %add3A_377 : i32 to index
        %swap3A_379 = tpu.vector_load %arg10[%swap3A_378] {strides = array<i32>} : memref<6144xf32, #tpu.memory_space<vmem>>, vector<16xf32>,
        tpu.vector_store %arg10[%swap3A_378], %add3A_98 {strides = array<i32>} : memref<6144xf32, #tpu.memory_space<vmem>>, vector<16xf32>,
        %add3A_380 = arith.constant 48 : i32
        %add3A_381 = arith.addi %mul3A_81, %add3A_380 : i32
        %swap3A_382 = arith.index_cast %add3A_381 : i32 to index
        %swap3A_383 = tpu.vector_load %arg10[%swap3A_382] {strides = array<i32>} : memref<6144xf32, #tpu.memory_space<vmem>>, vector<16xf32>,
        tpu.vector_store %arg10[%swap3A_382], %add3A_104 {strides = array<i32>} : memref<6144xf32, #tpu.memory_space<vmem>>, vector<16xf32>,
        %add3A_384 = arith.constant 64 : i32
        %add3A_385 = arith.addi %mul3A_81, %add3A_384 : i32
        %swap3A_386 = arith.index_cast %add3A_385 : i32 to index
        %swap3A_387 = tpu.vector_load %arg10[%swap3A_386] {strides = array<i32>} : memref<6144xf32, #tpu.memory_space<vmem>>, vector<16xf32>,
        tpu.vector_store %arg10[%swap3A_386], %add3A_110 {strides = array<i32>} : memref<6144xf32, #tpu.memory_space<vmem>>, vector<16xf32>,
        %add3A_388 = arith.constant 80 : i32
        %add3A_389 = arith.addi %mul3A_81, %add3A_388 : i32
        %swap3A_390 = arith.index_cast %add3A_389 : i32 to index
        %swap3A_391 = tpu.vector_load %arg10[%swap3A_390] {strides = array<i32>} : memref<6144xf32, #tpu.memory_space<vmem>>, vector<16xf32>,
        tpu.vector_store %arg10[%swap3A_390], %add3A_116 {strides = array<i32>} : memref<6144xf32, #tpu.memory_space<vmem>>, vector<16xf32>,
        %add3A_392 = arith.constant 96 : i32
        %add3A_393 = arith.addi %mul3A_81, %add3A_392 : i32
        %swap3A_394 = arith.index_cast %add3A_393 : i32 to index
        %swap3A_395 = tpu.vector_load %arg10[%swap3A_394] {strides = array<i32>} : memref<6144xf32, #tpu.memory_space<vmem>>, vector<16xf32>,
        tpu.vector_store %arg10[%swap3A_394], %add3A_122 {strides = array<i32>} : memref<6144xf32, #tpu.memory_space<vmem>>, vector<16xf32>,
        %add3A_396 = arith.constant 112 : i32
        %add3A_397 = arith.addi %mul3A_81, %add3A_396 : i32
        %swap3A_398 = arith.index_cast %add3A_397 : i32 to index
        %swap3A_399 = tpu.vector_load %arg10[%swap3A_398] {strides = array<i32>} : memref<6144xf32, #tpu.memory_space<vmem>>, vector<16xf32>,
        tpu.vector_store %arg10[%swap3A_398], %add3A_128 {strides = array<i32>} : memref<6144xf32, #tpu.memory_space<vmem>>, vector<16xf32>,
        %add3A_400 = arith.constant 128 : i32
        %add3A_401 = arith.addi %mul3A_81, %add3A_400 : i32
        %swap3A_402 = arith.index_cast %add3A_401 : i32 to index
        %swap3A_403 = tpu.vector_load %arg10[%swap3A_402] {strides = array<i32>} : memref<6144xf32, #tpu.memory_space<vmem>>, vector<16xf32>,
        tpu.vector_store %arg10[%swap3A_402], %add3A_134 {strides = array<i32>} : memref<6144xf32, #tpu.memory_space<vmem>>, vector<16xf32>,
        %add3A_404 = arith.constant 144 : i32
        %add3A_405 = arith.addi %mul3A_81, %add3A_404 : i32
        %swap3A_406 = arith.index_cast %add3A_405 : i32 to index
        %swap3A_407 = tpu.vector_load %arg10[%swap3A_406] {strides = array<i32>} : memref<6144xf32, #tpu.memory_space<vmem>>, vector<16xf32>,
        tpu.vector_store %arg10[%swap3A_406], %add3A_140 {strides = array<i32>} : memref<6144xf32, #tpu.memory_space<vmem>>, vector<16xf32>,
        %add3A_408 = arith.constant 160 : i32
        %add3A_409 = arith.addi %mul3A_81, %add3A_408 : i32
        %swap3A_410 = arith.index_cast %add3A_409 : i32 to index
        %swap3A_411 = tpu.vector_load %arg10[%swap3A_410] {strides = array<i32>} : memref<6144xf32, #tpu.memory_space<vmem>>, vector<16xf32>,
        tpu.vector_store %arg10[%swap3A_410], %add3A_146 {strides = array<i32>} : memref<6144xf32, #tpu.memory_space<vmem>>, vector<16xf32>,
        %add3A_412 = arith.constant 176 : i32
        %add3A_413 = arith.addi %mul3A_81, %add3A_412 : i32
        %swap3A_414 = arith.index_cast %add3A_413 : i32 to index
        %swap3A_415 = tpu.vector_load %arg10[%swap3A_414] {strides = array<i32>} : memref<6144xf32, #tpu.memory_space<vmem>>, vector<16xf32>,
        tpu.vector_store %arg10[%swap3A_414], %add3A_152 {strides = array<i32>} : memref<6144xf32, #tpu.memory_space<vmem>>, vector<16xf32>,
        %add3A_416 = arith.constant 192 : i32
        %add3A_417 = arith.addi %mul3A_81, %add3A_416 : i32
        %swap3A_418 = arith.index_cast %add3A_417 : i32 to index
        %swap3A_419 = tpu.vector_load %arg10[%swap3A_418] {strides = array<i32>} : memref<6144xf32, #tpu.memory_space<vmem>>, vector<16xf32>,
        tpu.vector_store %arg10[%swap3A_418], %add3A_158 {strides = array<i32>} : memref<6144xf32, #tpu.memory_space<vmem>>, vector<16xf32>,
        %add3A_420 = arith.constant 208 : i32
        %add3A_421 = arith.addi %mul3A_81, %add3A_420 : i32
        %swap3A_422 = arith.index_cast %add3A_421 : i32 to index
        %swap3A_423 = tpu.vector_load %arg10[%swap3A_422] {strides = array<i32>} : memref<6144xf32, #tpu.memory_space<vmem>>, vector<16xf32>,
        tpu.vector_store %arg10[%swap3A_422], %add3A_164 {strides = array<i32>} : memref<6144xf32, #tpu.memory_space<vmem>>, vector<16xf32>,
        %add3A_424 = arith.constant 224 : i32
        %add3A_425 = arith.addi %mul3A_81, %add3A_424 : i32
        %swap3A_426 = arith.index_cast %add3A_425 : i32 to index
        %swap3A_427 = tpu.vector_load %arg10[%swap3A_426] {strides = array<i32>} : memref<6144xf32, #tpu.memory_space<vmem>>, vector<16xf32>,
        tpu.vector_store %arg10[%swap3A_426], %add3A_170 {strides = array<i32>} : memref<6144xf32, #tpu.memory_space<vmem>>, vector<16xf32>,
        %add3A_428 = arith.constant 240 : i32
        %add3A_429 = arith.addi %mul3A_81, %add3A_428 : i32
        %swap3A_430 = arith.index_cast %add3A_429 : i32 to index
        %swap3A_431 = tpu.vector_load %arg10[%swap3A_430] {strides = array<i32>} : memref<6144xf32, #tpu.memory_space<vmem>>, vector<16xf32>,
        tpu.vector_store %arg10[%swap3A_430], %add3A_176 {strides = array<i32>} : memref<6144xf32, #tpu.memory_space<vmem>>, vector<16xf32>,
        %add3A_432 = arith.constant 256 : i32
        %add3A_433 = arith.addi %mul3A_81, %add3A_432 : i32
        %swap3A_434 = arith.index_cast %add3A_433 : i32 to index
        %swap3A_435 = tpu.vector_load %arg10[%swap3A_434] {strides = array<i32>} : memref<6144xf32, #tpu.memory_space<vmem>>, vector<16xf32>,
        tpu.vector_store %arg10[%swap3A_434], %add3A_182 {strides = array<i32>} : memref<6144xf32, #tpu.memory_space<vmem>>, vector<16xf32>,
        %add3A_436 = arith.constant 272 : i32
        %add3A_437 = arith.addi %mul3A_81, %add3A_436 : i32
        %swap3A_438 = arith.index_cast %add3A_437 : i32 to index
        %swap3A_439 = tpu.vector_load %arg10[%swap3A_438] {strides = array<i32>} : memref<6144xf32, #tpu.memory_space<vmem>>, vector<16xf32>,
        tpu.vector_store %arg10[%swap3A_438], %add3A_188 {strides = array<i32>} : memref<6144xf32, #tpu.memory_space<vmem>>, vector<16xf32>,
        %add3A_440 = arith.constant 288 : i32
        %add3A_441 = arith.addi %mul3A_81, %add3A_440 : i32
        %swap3A_442 = arith.index_cast %add3A_441 : i32 to index
        %swap3A_443 = tpu.vector_load %arg10[%swap3A_442] {strides = array<i32>} : memref<6144xf32, #tpu.memory_space<vmem>>, vector<16xf32>,
        tpu.vector_store %arg10[%swap3A_442], %add3A_194 {strides = array<i32>} : memref<6144xf32, #tpu.memory_space<vmem>>, vector<16xf32>,
        %add3A_444 = arith.constant 304 : i32
        %add3A_445 = arith.addi %mul3A_81, %add3A_444 : i32
        %swap3A_446 = arith.index_cast %add3A_445 : i32 to index
        %swap3A_447 = tpu.vector_load %arg10[%swap3A_446] {strides = array<i32>} : memref<6144xf32, #tpu.memory_space<vmem>>, vector<16xf32>,
        tpu.vector_store %arg10[%swap3A_446], %add3A_200 {strides = array<i32>} : memref<6144xf32, #tpu.memory_space<vmem>>, vector<16xf32>,
        %add3A_448 = arith.constant 320 : i32
        %add3A_449 = arith.addi %mul3A_81, %add3A_448 : i32
        %swap3A_450 = arith.index_cast %add3A_449 : i32 to index
        %swap3A_451 = tpu.vector_load %arg10[%swap3A_450] {strides = array<i32>} : memref<6144xf32, #tpu.memory_space<vmem>>, vector<16xf32>,
        tpu.vector_store %arg10[%swap3A_450], %add3A_206 {strides = array<i32>} : memref<6144xf32, #tpu.memory_space<vmem>>, vector<16xf32>,
        %add3A_452 = arith.constant 336 : i32
        %add3A_453 = arith.addi %mul3A_81, %add3A_452 : i32
        %swap3A_454 = arith.index_cast %add3A_453 : i32 to index
        %swap3A_455 = tpu.vector_load %arg10[%swap3A_454] {strides = array<i32>} : memref<6144xf32, #tpu.memory_space<vmem>>, vector<16xf32>,
        tpu.vector_store %arg10[%swap3A_454], %add3A_212 {strides = array<i32>} : memref<6144xf32, #tpu.memory_space<vmem>>, vector<16xf32>,
        %add3A_456 = arith.constant 352 : i32
        %add3A_457 = arith.addi %mul3A_81, %add3A_456 : i32
        %swap3A_458 = arith.index_cast %add3A_457 : i32 to index
        %swap3A_459 = tpu.vector_load %arg10[%swap3A_458] {strides = array<i32>} : memref<6144xf32, #tpu.memory_space<vmem>>, vector<16xf32>,
        tpu.vector_store %arg10[%swap3A_458], %add3A_218 {strides = array<i32>} : memref<6144xf32, #tpu.memory_space<vmem>>, vector<16xf32>,
        %add3A_460 = arith.constant 368 : i32
        %add3A_461 = arith.addi %mul3A_81, %add3A_460 : i32
        %swap3A_462 = arith.index_cast %add3A_461 : i32 to index
        %swap3A_463 = tpu.vector_load %arg10[%swap3A_462] {strides = array<i32>} : memref<6144xf32, #tpu.memory_space<vmem>>, vector<16xf32>,
        tpu.vector_store %arg10[%swap3A_462], %add3A_224 {strides = array<i32>} : memref<6144xf32, #tpu.memory_space<vmem>>, vector<16xf32>,
        %add3A_464 = arith.constant 384 : i32
        %add3A_465 = arith.addi %mul3A_81, %add3A_464 : i32
        %swap3A_466 = arith.index_cast %add3A_465 : i32 to index
        %swap3A_467 = tpu.vector_load %arg10[%swap3A_466] {strides = array<i32>} : memref<6144xf32, #tpu.memory_space<vmem>>, vector<16xf32>,
        tpu.vector_store %arg10[%swap3A_466], %add3A_230 {strides = array<i32>} : memref<6144xf32, #tpu.memory_space<vmem>>, vector<16xf32>,
        %add3A_468 = arith.constant 400 : i32
        %add3A_469 = arith.addi %mul3A_81, %add3A_468 : i32
        %swap3A_470 = arith.index_cast %add3A_469 : i32 to index
        %swap3A_471 = tpu.vector_load %arg10[%swap3A_470] {strides = array<i32>} : memref<6144xf32, #tpu.memory_space<vmem>>, vector<16xf32>,
        tpu.vector_store %arg10[%swap3A_470], %add3A_236 {strides = array<i32>} : memref<6144xf32, #tpu.memory_space<vmem>>, vector<16xf32>,
        %add3A_472 = arith.constant 416 : i32
        %add3A_473 = arith.addi %mul3A_81, %add3A_472 : i32
        %swap3A_474 = arith.index_cast %add3A_473 : i32 to index
        %swap3A_475 = tpu.vector_load %arg10[%swap3A_474] {strides = array<i32>} : memref<6144xf32, #tpu.memory_space<vmem>>, vector<16xf32>,
        tpu.vector_store %arg10[%swap3A_474], %add3A_242 {strides = array<i32>} : memref<6144xf32, #tpu.memory_space<vmem>>, vector<16xf32>,
        %add3A_476 = arith.constant 432 : i32
        %add3A_477 = arith.addi %mul3A_81, %add3A_476 : i32
        %swap3A_478 = arith.index_cast %add3A_477 : i32 to index
        %swap3A_479 = tpu.vector_load %arg10[%swap3A_478] {strides = array<i32>} : memref<6144xf32, #tpu.memory_space<vmem>>, vector<16xf32>,
        tpu.vector_store %arg10[%swap3A_478], %add3A_248 {strides = array<i32>} : memref<6144xf32, #tpu.memory_space<vmem>>, vector<16xf32>,
        %add3A_480 = arith.constant 448 : i32
        %add3A_481 = arith.addi %mul3A_81, %add3A_480 : i32
        %swap3A_482 = arith.index_cast %add3A_481 : i32 to index
        %swap3A_483 = tpu.vector_load %arg10[%swap3A_482] {strides = array<i32>} : memref<6144xf32, #tpu.memory_space<vmem>>, vector<16xf32>,
        tpu.vector_store %arg10[%swap3A_482], %add3A_254 {strides = array<i32>} : memref<6144xf32, #tpu.memory_space<vmem>>, vector<16xf32>,
        %add3A_484 = arith.constant 464 : i32
        %add3A_485 = arith.addi %mul3A_81, %add3A_484 : i32
        %swap3A_486 = arith.index_cast %add3A_485 : i32 to index
        %swap3A_487 = tpu.vector_load %arg10[%swap3A_486] {strides = array<i32>} : memref<6144xf32, #tpu.memory_space<vmem>>, vector<16xf32>,
        tpu.vector_store %arg10[%swap3A_486], %add3A_260 {strides = array<i32>} : memref<6144xf32, #tpu.memory_space<vmem>>, vector<16xf32>,
        %add3A_488 = arith.constant 480 : i32
        %add3A_489 = arith.addi %mul3A_81, %add3A_488 : i32
        %swap3A_490 = arith.index_cast %add3A_489 : i32 to index
        %swap3A_491 = tpu.vector_load %arg10[%swap3A_490] {strides = array<i32>} : memref<6144xf32, #tpu.memory_space<vmem>>, vector<16xf32>,
        tpu.vector_store %arg10[%swap3A_490], %add3A_266 {strides = array<i32>} : memref<6144xf32, #tpu.memory_space<vmem>>, vector<16xf32>,
        %add3A_492 = arith.constant 496 : i32
        %add3A_493 = arith.addi %mul3A_81, %add3A_492 : i32
        %swap3A_494 = arith.index_cast %add3A_493 : i32 to index
        %swap3A_495 = tpu.vector_load %arg10[%swap3A_494] {strides = array<i32>} : memref<6144xf32, #tpu.memory_space<vmem>>, vector<16xf32>,
        tpu.vector_store %arg10[%swap3A_494], %add3A_272 {strides = array<i32>} : memref<6144xf32, #tpu.memory_space<vmem>>, vector<16xf32>,
        %add3A_496 = arith.constant 512 : i32
        %add3A_497 = arith.addi %mul3A_81, %add3A_496 : i32
        %swap3A_498 = arith.index_cast %add3A_497 : i32 to index
        %swap3A_499 = tpu.vector_load %arg10[%swap3A_498] {strides = array<i32>} : memref<6144xf32, #tpu.memory_space<vmem>>, vector<16xf32>,
        tpu.vector_store %arg10[%swap3A_498], %add3A_278 {strides = array<i32>} : memref<6144xf32, #tpu.memory_space<vmem>>, vector<16xf32>,
        %add3A_500 = arith.constant 528 : i32
        %add3A_501 = arith.addi %mul3A_81, %add3A_500 : i32
        %swap3A_502 = arith.index_cast %add3A_501 : i32 to index
        %swap3A_503 = tpu.vector_load %arg10[%swap3A_502] {strides = array<i32>} : memref<6144xf32, #tpu.memory_space<vmem>>, vector<16xf32>,
        tpu.vector_store %arg10[%swap3A_502], %add3A_284 {strides = array<i32>} : memref<6144xf32, #tpu.memory_space<vmem>>, vector<16xf32>,
        %add3A_504 = arith.constant 544 : i32
        %add3A_505 = arith.addi %mul3A_81, %add3A_504 : i32
        %swap3A_506 = arith.index_cast %add3A_505 : i32 to index
        %swap3A_507 = tpu.vector_load %arg10[%swap3A_506] {strides = array<i32>} : memref<6144xf32, #tpu.memory_space<vmem>>, vector<16xf32>,
        tpu.vector_store %arg10[%swap3A_506], %add3A_290 {strides = array<i32>} : memref<6144xf32, #tpu.memory_space<vmem>>, vector<16xf32>,
        %add3A_508 = arith.constant 560 : i32
        %add3A_509 = arith.addi %mul3A_81, %add3A_508 : i32
        %swap3A_510 = arith.index_cast %add3A_509 : i32 to index
        %swap3A_511 = tpu.vector_load %arg10[%swap3A_510] {strides = array<i32>} : memref<6144xf32, #tpu.memory_space<vmem>>, vector<16xf32>,
        tpu.vector_store %arg10[%swap3A_510], %add3A_296 {strides = array<i32>} : memref<6144xf32, #tpu.memory_space<vmem>>, vector<16xf32>,
        %add3A_512 = arith.constant 576 : i32
        %add3A_513 = arith.addi %mul3A_81, %add3A_512 : i32
        %swap3A_514 = arith.index_cast %add3A_513 : i32 to index
        %swap3A_515 = tpu.vector_load %arg10[%swap3A_514] {strides = array<i32>} : memref<6144xf32, #tpu.memory_space<vmem>>, vector<16xf32>,
        tpu.vector_store %arg10[%swap3A_514], %add3A_302 {strides = array<i32>} : memref<6144xf32, #tpu.memory_space<vmem>>, vector<16xf32>,
        %add3A_516 = arith.constant 592 : i32
        %add3A_517 = arith.addi %mul3A_81, %add3A_516 : i32
        %swap3A_518 = arith.index_cast %add3A_517 : i32 to index
        %swap3A_519 = tpu.vector_load %arg10[%swap3A_518] {strides = array<i32>} : memref<6144xf32, #tpu.memory_space<vmem>>, vector<16xf32>,
        tpu.vector_store %arg10[%swap3A_518], %add3A_308 {strides = array<i32>} : memref<6144xf32, #tpu.memory_space<vmem>>, vector<16xf32>,
        %add3A_520 = arith.constant 608 : i32
        %add3A_521 = arith.addi %mul3A_81, %add3A_520 : i32
        %swap3A_522 = arith.index_cast %add3A_521 : i32 to index
        %swap3A_523 = tpu.vector_load %arg10[%swap3A_522] {strides = array<i32>} : memref<6144xf32, #tpu.memory_space<vmem>>, vector<16xf32>,
        tpu.vector_store %arg10[%swap3A_522], %add3A_314 {strides = array<i32>} : memref<6144xf32, #tpu.memory_space<vmem>>, vector<16xf32>,
        %add3A_524 = arith.constant 624 : i32
        %add3A_525 = arith.addi %mul3A_81, %add3A_524 : i32
        %swap3A_526 = arith.index_cast %add3A_525 : i32 to index
        %swap3A_527 = tpu.vector_load %arg10[%swap3A_526] {strides = array<i32>} : memref<6144xf32, #tpu.memory_space<vmem>>, vector<16xf32>,
        tpu.vector_store %arg10[%swap3A_526], %add3A_320 {strides = array<i32>} : memref<6144xf32, #tpu.memory_space<vmem>>, vector<16xf32>,
        %add3A_528 = arith.constant 640 : i32
        %add3A_529 = arith.addi %mul3A_81, %add3A_528 : i32
        %swap3A_530 = arith.index_cast %add3A_529 : i32 to index
        %swap3A_531 = tpu.vector_load %arg10[%swap3A_530] {strides = array<i32>} : memref<6144xf32, #tpu.memory_space<vmem>>, vector<16xf32>,
        tpu.vector_store %arg10[%swap3A_530], %add3A_326 {strides = array<i32>} : memref<6144xf32, #tpu.memory_space<vmem>>, vector<16xf32>,
        %add3A_532 = arith.constant 656 : i32
        %add3A_533 = arith.addi %mul3A_81, %add3A_532 : i32
        %swap3A_534 = arith.index_cast %add3A_533 : i32 to index
        %swap3A_535 = tpu.vector_load %arg10[%swap3A_534] {strides = array<i32>} : memref<6144xf32, #tpu.memory_space<vmem>>, vector<16xf32>,
        tpu.vector_store %arg10[%swap3A_534], %add3A_332 {strides = array<i32>} : memref<6144xf32, #tpu.memory_space<vmem>>, vector<16xf32>,
        %add3A_536 = arith.constant 672 : i32
        %add3A_537 = arith.addi %mul3A_81, %add3A_536 : i32
        %swap3A_538 = arith.index_cast %add3A_537 : i32 to index
        %swap3A_539 = tpu.vector_load %arg10[%swap3A_538] {strides = array<i32>} : memref<6144xf32, #tpu.memory_space<vmem>>, vector<16xf32>,
        tpu.vector_store %arg10[%swap3A_538], %add3A_338 {strides = array<i32>} : memref<6144xf32, #tpu.memory_space<vmem>>, vector<16xf32>,
        %add3A_540 = arith.constant 688 : i32
        %add3A_541 = arith.addi %mul3A_81, %add3A_540 : i32
        %swap3A_542 = arith.index_cast %add3A_541 : i32 to index
        %swap3A_543 = tpu.vector_load %arg10[%swap3A_542] {strides = array<i32>} : memref<6144xf32, #tpu.memory_space<vmem>>, vector<16xf32>,
        tpu.vector_store %arg10[%swap3A_542], %add3A_344 {strides = array<i32>} : memref<6144xf32, #tpu.memory_space<vmem>>, vector<16xf32>,
        %add3A_544 = arith.constant 704 : i32
        %add3A_545 = arith.addi %mul3A_81, %add3A_544 : i32
        %swap3A_546 = arith.index_cast %add3A_545 : i32 to index
        %swap3A_547 = tpu.vector_load %arg10[%swap3A_546] {strides = array<i32>} : memref<6144xf32, #tpu.memory_space<vmem>>, vector<16xf32>,
        tpu.vector_store %arg10[%swap3A_546], %add3A_350 {strides = array<i32>} : memref<6144xf32, #tpu.memory_space<vmem>>, vector<16xf32>,
        %add3A_548 = arith.constant 720 : i32
        %add3A_549 = arith.addi %mul3A_81, %add3A_548 : i32
        %swap3A_550 = arith.index_cast %add3A_549 : i32 to index
        %swap3A_551 = tpu.vector_load %arg10[%swap3A_550] {strides = array<i32>} : memref<6144xf32, #tpu.memory_space<vmem>>, vector<16xf32>,
        tpu.vector_store %arg10[%swap3A_550], %add3A_356 {strides = array<i32>} : memref<6144xf32, #tpu.memory_space<vmem>>, vector<16xf32>,
        %add3A_552 = arith.constant 736 : i32
        %add3A_553 = arith.addi %mul3A_81, %add3A_552 : i32
        %swap3A_554 = arith.index_cast %add3A_553 : i32 to index
        %swap3A_555 = tpu.vector_load %arg10[%swap3A_554] {strides = array<i32>} : memref<6144xf32, #tpu.memory_space<vmem>>, vector<16xf32>,
        tpu.vector_store %arg10[%swap3A_554], %add3A_362 {strides = array<i32>} : memref<6144xf32, #tpu.memory_space<vmem>>, vector<16xf32>,
        %add3A_556 = arith.constant 752 : i32
        %add3A_557 = arith.addi %mul3A_81, %add3A_556 : i32
        %swap3A_558 = arith.index_cast %add3A_557 : i32 to index
        %swap3A_559 = tpu.vector_load %arg10[%swap3A_558] {strides = array<i32>} : memref<6144xf32, #tpu.memory_space<vmem>>, vector<16xf32>,
        tpu.vector_store %arg10[%swap3A_558], %add3A_368 {strides = array<i32>} : memref<6144xf32, #tpu.memory_space<vmem>>, vector<16xf32>,
        scf.yield %while3A#1, %while3A#2, %while3A#3 : i32, i32, i32
      }
      %scan3A_54 = arith.constant 8 : i32
      %add3A_55 = arith.addi %mul3A_2, %mul3A_46 : i32
      %mul3A_56 = arith.constant 768 : i32
      %mul3A_57 = arith.muli %add3A_55, %mul3A_56 : i32
      %multiple_of3A_58 = tpu.assume_multiple %mul3A_57, 8 : i32
      %dma_start3A_59 = tpu.memref_slice %arg6[%multiple_of3A_58] : memref<6291456xf32, #tpu.memory_space<hbm>> -> memref<6144xf32, #tpu.memory_space<hbm>>
      %dma_start3A_60 = tpu.memref_slice %arg6[%multiple_of3A_58] : memref<6291456xf32, #tpu.memory_space<hbm>> -> memref<6144xf32, #tpu.memory_space<hbm>>
      tpu.enqueue_dma source(%arg10 : memref<6144xf32, #tpu.memory_space<vmem>>) target(%dma_start3A_60 : memref<6144xf32, #tpu.memory_space<hbm>>) target_semaphore(%arg13 : memref<!tpu.dma_semaphore, #tpu.memory_space<semaphore_mem>>)
      scf.yield %scan3A_53#0, %scan3A_53#1, %scan3A_53#2 : i32, i32, i32
    }
    %scan3A_21 = arith.constant 32 : i32
    %add3A_22 = arith.constant 256 : i32
    %add3A_23 = arith.addi %mul3A_2, %add3A_22 : i32
    %sub3A = arith.constant 8 : i32
    %sub3A_24 = arith.subi %add3A_23, %sub3A : i32
    %mul3A_25 = arith.constant 768 : i32
    %mul3A_26 = arith.muli %sub3A_24, %mul3A_25 : i32
    %multiple_of3A_27 = tpu.assume_multiple %mul3A_26, 8 : i32
    %dma_wait3A = tpu.memref_slice %arg6[%multiple_of3A_27] : memref<6291456xf32, #tpu.memory_space<hbm>> -> memref<6144xf32, #tpu.memory_space<hbm>>
    %dma_wait3A_28 = tpu.memref_slice %arg6[%multiple_of3A_27] : memref<6291456xf32, #tpu.memory_space<hbm>> -> memref<6144xf32, #tpu.memory_space<hbm>>
    tpu.wait_dma2 semaphore(%arg13 : memref<!tpu.dma_semaphore, #tpu.memory_space<semaphore_mem>>) src(%arg10 : memref<6144xf32, #tpu.memory_space<vmem>>) dst(%dma_wait3A_28 : memref<6144xf32, #tpu.memory_space<hbm>>)
    %sub3A_29 = arith.constant 1 : i32
    %sub3A_30 = arith.subi %sub3A_29, %scan3A_20#1 : i32
    %mul3A_31 = arith.constant 768 : i32
    %mul3A_32 = arith.muli %scan3A_20#2, %mul3A_31 : i32
    %multiple_of3A_33 = tpu.assume_multiple %mul3A_32, 8 : i32
    %mul3A_34 = arith.constant 49152 : i32
    %mul3A_35 = arith.muli %sub3A_30, %mul3A_34 : i32
    %multiple_of3A_36 = tpu.assume_multiple %mul3A_35, 8 : i32
    %dma_wait3A_37 = tpu.memref_slice %arg11[%multiple_of3A_36] : memref<98304xf32, #tpu.memory_space<vmem>> -> memref<49152xf32, #tpu.memory_space<vmem>>
    %dma_wait3A_38 = tpu.memref_slice %arg2[%multiple_of3A_33] : memref<25165824xf32, #tpu.memory_space<hbm>> -> memref<49152xf32, #tpu.memory_space<hbm>>
    %dma_wait3A_39 = tpu.memref_slice %arg11[%multiple_of3A_36] : memref<98304xf32, #tpu.memory_space<vmem>> -> memref<49152xf32, #tpu.memory_space<vmem>>
    %dma_wait3A_40 = tpu.memref_slice %arg2[%multiple_of3A_33] : memref<25165824xf32, #tpu.memory_space<hbm>> -> memref<49152xf32, #tpu.memory_space<hbm>>
    tpu.wait_dma2 semaphore(%arg12 : memref<!tpu.dma_semaphore, #tpu.memory_space<semaphore_mem>>) src(%dma_wait3A_40 : memref<49152xf32, #tpu.memory_space<hbm>>) dst(%dma_wait3A_39 : memref<49152xf32, #tpu.memory_space<vmem>>)
    return
  }
}

</mosaic_0001>

<sc_bundles>
// kernel: kernel.3.cloned.1.call-start
scs
__scs_entry_jumppad:
0x0: {  	(pc) =	sbr.rel $0x88, $3  }
0x1: {  	(tag) =	ssettag $0x0;
	lr =	simm.s32 $0x1  }
0x2: {  	[smem:$0x3F9C] =	sst lr;
	_ =	strace $0xD0000000  }
0x3: {  	_ = 	snop  }
0x4: {  	_ = 	snop  }
0x5: {  	_ = 	snop  }
0x6: {  	_ = 	snop  }
0x7: {  	_ = 	snop  }
__scs_overlays_trampoline_lowered:
0x8: {  	[smem:$0x3FAB] =	sst s0  }
0x9: {  	[smem:$0x3FAC] =	sst s1  }
0xa: {  	[smem:$0x3FAD] =	sst s2  }
0xb: {  	[smem:$0x3FAE] =	sst s3  }
0xc: {  	[smem:$0x3FAF] =	sst s4  }
0xd: {  	[smem:$0x3FB0] =	sst s5  }
0xe: {  	[smem:$0x3FB1] =	sst s6  }
0xf: {  	[smem:$0x3FB2] =	sst s7  }
0x10: {  	[smem:$0x3FB3] =	sst s8  }
0x11: {  	[smem:$0x3FB4] =	sst s9;
	s0 =	simm.s32 @!p0 $0x0  }
0x12: {  	s1 =	sld [smem:$0x3F9A];
	s0 =	simm.s32 @p0 $0x1  }
0x13: {  	[smem:$0x3FB5] =	sst s0;
	s0 =	simm.s32 @!p1 $0x0  }
0x14: {  	s2 =	sld [smem:$0x3F99];
	s0 =	simm.s32 @p1 $0x1  }
0x15: {  	[smem:$0x3FB6] =	sst s0;
	s0 =	simm.s32 @!p2 $0x0  }
0x16: {  	s3 =	sld [smem:$0x3FDB];
	s0 =	simm.s32 @p2 $0x1  }
0x17: {  	s4 =	simm.s32 $0x1BF5;
	[smem:$0x3FB8] =	sst s0  }
0x18: {  	s0 =	sld [smem:$0x3F9B];
	_ =	swait.ge [sflag:s4], $0x0  }
0x19: {  	s7 =	sld [smem:$0x3F9C]  }
0x1a: {  	s8 =	sadd.s32 $0xFFFFE003, lr  }
0x1b: {  	s9 =	sadd.s32 $0xFFFFFEF7, lr;
	s5 =	simm.s32 $0xFFFFFFFF;
	p2 =	slt.u32 s8, $0xFFFFF086  }
0x1c: {  	p1 =	slt.u32 s9, $0xF7A;
	s5 =	simm.s32 @!p2 $0x0  }
0x1d: {  	s5 =	simm.s32 @p1 $0x1;
	p0 =	seq.s32 s7, s2  }
0x1e: {  	s7 =	smul.u32 @!p0 $0xF7A, s2;
	p2 =	seq.s32 @!p0 s5, $0x0  }
0x1f: {  	s9 =	smul.u32 $0xF7A, s1;
	s8 =	simm.s32 @!p0 $0x1BF5;
	p2 =	por !p2, p0  }
0x20: {  	[sflag:s8] =	ssyncset.s32 @!p0 $0xFFFFF086;
	s6 =	sadd.s32 @!p0 s3, s7;
	s7 =	simm.s32 @!p0 $0x108  }
0x21: {  	s3 =	sadd.s32 s3, s9;
	s6 =	sadd.s32 @!p0 $0x88, s6;
	s7 =	simm.s32 @p2 $0x1082  }
0x22: {  	[simem:s7], [sflag:s8] =	dma.local @!p0 [hbm:s6], $0xF7A  }
0x23: {  	s9 =	sor.u32 $0xD0000000, s2;
	s6 =	simm.s32 $0x108;
	_ =	swait.ge @!p0 [sflag:s8], $0x0  }
0x24: {  	s3 =	sadd.s32 $0x88, s3;
	s6 =	simm.s32 @!p1 $0x1082;
	[sflag:s4] =	ssyncset.s32 $0xFFFFF086  }
0x25: {  	[simem:s6], [sflag:s4] =	dma.local [hbm:s3], $0xF7A  }
0x26: {  	[smem:$0x3F9C] =	sst s1;
	(tag) =	ssettag s2;
	_ =	strace s9  }
0x27: {  	s1 =	sld [smem:$0x3FAC]  }
0x28: {  	s2 =	sld [smem:$0x3FAD]  }
0x29: {  	s4 =	sld [smem:$0x3FAF]  }
0x2a: {  	p0 =	seq.s32 s5, $0x0;
	s5 =	sld [smem:$0x3FB0]  }
0x2b: {  	s6 =	sld [smem:$0x3FB1]  }
0x2c: {  	s7 =	sld [smem:$0x3FB2]  }
0x2d: {  	s3 =	simm.s32 $0x108;
	s8 =	sld [smem:$0x3FB3]  }
0x2e: {  	s3 =	simm.s32 @!p0 $0x1082;
	s9 =	sld [smem:$0x3FB4]  }
0x2f: {  	lr =	sadd.s32 s0, s3;
	s0 =	sld [smem:$0x3FAB]  }
0x30: {  	s3 =	sld [smem:$0x3FAE]  }
0x31: {  	[smem:$0x3FB7] =	sst s10  }
0x32: {  	s10 =	sld [smem:$0x3FB5];
	_ =	sdelay $0x3  }
0x33: {  	p0 =	seq.s32 s10, $0x1;
	s10 =	sld [smem:$0x3FB7];
	_ =	sdelay $0x3  }
0x34: {  	[smem:$0x3FB7] =	sst s10  }
0x35: {  	s10 =	sld [smem:$0x3FB6];
	_ =	sdelay $0x3  }
0x36: {  	p1 =	seq.s32 s10, $0x1;
	s10 =	sld [smem:$0x3FB7];
	_ =	sdelay $0x3  }
0x37: {  	[smem:$0x3FB7] =	sst s10  }
0x38: {  	s10 =	sld [smem:$0x3FB8]  }
0x39: {  	_ = 	snop;
	(pc) =	sbr.ind lr, $3  }
0x3a: {  	_ = 	snop  }
0x3b: {  	_ = 	snop  }
0x3c: {  	p2 =	seq.s32 s10, $0x1;
	s10 =	sld [smem:$0x3FB7]  }
0x3d: {  	_ =	shalt  }
0x3e: {  	_ =	shalt  }
0x3f: {  	_ =	shalt  }
0x40: {  	_ =	shalt  }
0x41: {  	_ =	shalt  }
0x42: {  	_ =	shalt  }
0x43: {  	_ =	shalt  }
0x44: {  	_ =	shalt  }
0x45: {  	_ =	shalt  }
0x46: {  	_ =	shalt  }
0x47: {  	_ =	shalt  }
0x48: {  	_ =	shalt  }
0x49: {  	_ =	shalt  }
0x4a: {  	_ =	shalt  }
0x4b: {  	_ =	shalt  }
0x4c: {  	_ =	shalt  }
0x4d: {  	_ =	shalt  }
0x4e: {  	_ =	shalt  }
0x4f: {  	_ =	shalt  }
0x50: {  	_ =	shalt  }
0x51: {  	_ =	shalt  }
0x52: {  	_ =	shalt  }
0x53: {  	_ =	shalt  }
0x54: {  	_ =	shalt  }
0x55: {  	_ =	shalt  }
0x56: {  	_ =	shalt  }
0x57: {  	_ =	shalt  }
0x58: {  	_ =	shalt  }
0x59: {  	_ =	shalt  }
0x5a: {  	_ =	shalt  }
0x5b: {  	_ =	shalt  }
0x5c: {  	_ =	shalt  }
0x5d: {  	_ =	shalt  }
0x5e: {  	_ =	shalt  }
0x5f: {  	_ =	shalt  }
0x60: {  	_ =	shalt  }
0x61: {  	_ =	shalt  }
0x62: {  	_ =	shalt  }
0x63: {  	_ =	shalt  }
0x64: {  	_ =	shalt  }
0x65: {  	_ =	shalt  }
0x66: {  	_ =	shalt  }
0x67: {  	_ =	shalt  }
0x68: {  	_ =	shalt  }
0x69: {  	_ =	shalt  }
0x6a: {  	_ =	shalt  }
0x6b: {  	_ =	shalt  }
0x6c: {  	_ =	shalt  }
0x6d: {  	_ =	shalt  }
0x6e: {  	_ =	shalt  }
0x6f: {  	_ =	shalt  }
0x70: {  	_ =	shalt  }
0x71: {  	_ =	shalt  }
0x72: {  	_ =	shalt  }
0x73: {  	_ =	shalt  }
0x74: {  	_ =	shalt  }
0x75: {  	_ =	shalt  }
0x76: {  	_ =	shalt  }
0x77: {  	_ =	shalt  }
0x78: {  	_ =	shalt  }
0x79: {  	_ =	shalt  }
0x7a: {  	_ =	shalt  }
0x7b: {  	_ =	shalt  }
0x7c: {  	_ =	shalt  }
0x7d: {  	_ =	shalt  }
0x7e: {  	_ =	shalt  }
0x7f: {  	_ =	shalt  }
0x80: {  	_ =	shalt  }
0x81: {  	_ =	shalt  }
0x82: {  	_ =	shalt  }
0x83: {  	_ =	shalt  }
0x84: {  	_ =	shalt  }
0x85: {  	_ =	shalt  }
0x86: {  	_ =	shalt  }
0x87: {  	_ =	shalt  }
.Lfunc_end0:
.L_simem_size_0:
called_computation_lowered:
.L_overlay_start_0:
0x88: {  	s2 =	sld [smem:$0x3FD9]  }
0x89: {  	s3 =	sld [smem:$0x3FFE];
	_ =	sdelay $0x1  }
0x8a: {  	s1 =	srdreg.scid  }
0x8b: {  	s0 =	sand.u32 $0x1, s1  }
0x8c: {  	s17 =	sshll.u32 s0, $0xA;
	s2 =	sadd.s32 s3, s2  }
0x8d: {  	s2 =	sadd.s32 s2, s17  }
0x8e: {  	[smem:$0x3FC3] =	sst s2  }
0x8f: {  	_ = 	snop  }
0x90: {  	s2 =	sld [smem:$0x3FD0];
	(tm) =	ssettm $0x1  }
0x91: {  	s18 =	sld [smem:$0x3FFB];
	_ =	sdelay $0x3  }
0x92: {  	_ =	strace s18  }
0x93: {  	s3 =	sld [smem:$0x3FFC];
	_ =	sdelay $0x3  }
0x94: {  	_ =	strace s3  }
0x95: {  	s3 =	sld [smem:$0x3FFD];
	_ =	sdelay $0x3  }
0x96: {  	_ =	strace s3  }
0x97: {  	_ =	strace $0x8FFFFFFF  }
0x98: {  	s19 =	sld [smem:$0x3FDB];
	_ =	sdelay $0x1  }
0x99: {  	s4 =	simm.s32 $_scs_section_size  }
0x9a: {  	s5 =	simm.s32 $_size__tile_overlayer_lowered;
	s6 =	simm.s32 $_tile_overlayer_lowered  }
0x9b: {  	s22 =	simm.s32 $0x1BFF;
	s21 =	sshll.u32 s6, $0x1;
	s3 =	sadd.s32 s4, s19  }
0x9c: {  	s7 =	simm.s32 $0x0;
	s20 =	sshll.u32 s5, $0x1;
	s5 =	sadd.s32 s21, s3  }
0x9d: {  	[timem:s7], [sflag:s22] =	dma.local [hbm:s5], s20  }
0x9e: {  	_ =	swait.ge [sflag:s22], s20  }
0x9f: {  	s4 =	ssub.s32 $0x0, s20;
	[sflag:s22] =	ssyncset.done $0x0  }
0xa0: {  	[sflag:s22] =	ssyncadd.s32 s4;
	_ =	sdelay $0x1  }
0xa1: {  	s23 =	simm.s32 $0x1B8B  }
0xa2: {  	_ =	swait.ge [sflag:s23], $0x1  }
0xa3: {  	[sflag:s23] =	ssyncset.done $0x0  }
0xa4: {  	s25 =	simm.s32 $0x1B8E;
	s24 =	sld [smem:$0x3FFE];
	[sflag:s23] =	ssyncadd.s32 $0xFFFFFFFF  }
0xa5: {  	s26 =	simm.s32 $execute0_lowered;
	[smem:$0x3FD2] =	sst s25  }
0xa6: {  	s5 =	sshll.u32 s26, $0x1;
	_ =	strace $0x80000046;
	[dreg:$0x1] =	wrdreg $0xFFFFFFFF  }
0xa7: {  	s28 =	simm.s32 $_size_execute0_lowered;
	s3 =	sadd.s32 s3, s5;
	[dreg:$0x0] =	wrdreg $0x0  }
0xa8: {  	s5 =	sshll.u32 s28, $0x1;
	[dreg:$0x2] =	wrdreg s3  }
0xa9: {  	[dreg:$0x3] =	wrdreg s5  }
0xaa: {  	[dreg:$0x4] =	wrdreg $0xC0  }
0xab: {  	_ =	task [dreg:s7], $0x5FFFF  }
0xac: {  	[dreg:$0x1] =	wrdreg $0xFFFFFFFF  }
0xad: {  	[dreg:$0x0] =	wrdreg $0x60  }
0xae: {  	[dreg:$0x2] =	wrdreg s24  }
0xaf: {  	[dreg:$0x3] =	wrdreg s2  }
0xb0: {  	[dreg:$0x4] =	wrdreg $0x9  }
0xb1: {  	_ =	task.clear_ibuf [dreg:s7], $0x5FFFF;
	_ =	strace $0x90000046  }
0xb2: {  	s29 =	simm.s32 $0x9;
	_ =	strace $0x80000048  }
0xb3: {  	_ =	swait.ge [sflag:s29], $0x1  }
0xb4: {  	[sflag:s29] =	ssyncadd.s32 $0xFFFFFFFF  }
0xb5: {  	_ =	strace $0x90000048  }
0xb6: {  	_ =	sfence  }
0xb7: {  	s30 =	sld [smem:$0x0];
	_ =	sdelay $0x2  }
0xb8: {  	s31 =	sshll.u32 s1, $0xD;
	s1 =	sshrl.u32 s1, $0x2  }
0xb9: {  	s3 =	sand.u32 $0x4000, s31;
	s1 =	sadd.s32 s1, s30  }
0xba: {  	s0 =	sor.u32 s3, s0;
	s1 =	sshll.u32 s1, $0x11  }
0xbb: {  	s0 =	sor.u32 s1, s0  }
0xbc: {  	s0 =	sadd.s32 $0x8F2B, s0  }
0xbd: {  	[sflag:s0] =	ssyncadd.remote.s32 $0x1  }
0xbe: {  	_ =	sfence.sel $0xFFFF  }
0xbf: {  	[dreg:$0x0] =	wrdreg $0xFFFFFFFF;
	(pc) =	sbr.abs _section_cstart, $3  }
0xc0: {  	[dreg:$0x1] =	wrdreg $0xFFFFFFFF  }
0xc1: {  	_ =	task.clear_ibuf [dreg:s7], $0x2FFFF;
	_ =	strace $0x9FFFFFFF  }
0xc2: {  	(tm) =	ssettm $0x7FFFFFFF  }
0xc3: {  	_ =	shalt  }
tec
execute0_lowered:
.L_overlay_start_1:
0x0: {  	(tag) =	ssettag $0x1  }
0x1: {  	s6 =	rddreg [dreg:$0x0]  }
0x2: {  	s2 =	rddreg [dreg:$0x1]  }
0x3: {  	s0 =	rddreg [dreg:$0x2];
	s4 =	srdreg.scid  }
0x4: {  	s3 =	simm.s32 $0x0;
	s1 =	stileid.u32;
	s10 =	simm.s32 $0x3  }
0x5: {  	s11 =	simm.s32 $0x100;
	s12 =	simm.s32 $0x200;
	s13 =	simm.s32 $0x13A00  }
0x6: {  	s14 =	simm.s32 $0x6200;
	s15 =	simm.s32 $0x2;
	s16 =	simm.s32 $0x1  }
0x7: {  	s17 =	simm.s32 $0x0;
	s7 =	sand.u32 $0x1, s4;
	[smem:$0x7FF] =	sst s3  }
.Ltmp0:
0x8: {  	s5 =	sshll.u32 s1, $0x8;
	s4 =	sshll.u32 s7, $0xC;
	(pc) =	sbr.rel .LBB2_1-.Ltmp0, $4  }
0x9: {  	_ =	strace $0x80000047;
	s7 =	ssub.s32 $0x2, s7;
	s4 =	sor.u32 s5, s4  }
0xa: {  	s5 =	sadd.s32 $0xC00, s6;
	s9 =	sshrl.u32 s7, $0x1;
	s8 =	sshrl.u32 s4, $0x3  }
0xb: {  	s9 =	ssub.s32 s7, s9;
	s8 =	sadd.s32 s8, s6;
	s6 =	sadd.s32 $0x300C00, s6  }
0xc: {  	s9 =	smax.u32 s9, $0x1;
	s7 =	sadd.s32 $0x800, s8;
	s8 =	sadd.s32 $0x400, s8  }
.LBB2_18:
0xd: {  	s17 =	sadd.s32 $0x1, s17  }
0xe: {  	_ =	swait.ge [sflag:s15], $0x1800;
	p0 =	sne.s32 s17, s9  }
.Ltmp1:
0xf: {  	[sflag:s15] =	ssyncset.done $0x0;
	(pc) =	sbr.rel @!p0 .LBB2_19-.Ltmp1, $4  }
0x10: {  	[sflag:s15] =	ssyncadd.s32 $0xFFFFE800  }
0x11: {  	_ =	swait.ge [sflag:s16], $0xC000  }
0x12: {  	[sflag:s16] =	ssyncset.done $0x0  }
0x13: {  	[sflag:s16] =	ssyncadd.s32 $0xFFFF4000  }
.LBB2_1:
0x14: {  	[tilespmem:s3], [sflag:$0x3] =	stream.linear.gather [hbm4b:s7+s3], $0x100, $0x38;
	[tilespmem:$0x1FA00] =	vst v63  }
0x15: {  	_ =	swait.ge [sflag:s10], $0x100  }
0x16: {  	[sflag:s10] =	ssyncset.done $0x0  }
0x17: {  	[sflag:s10] =	ssyncadd.s32 $0xFFFFFF00  }
0x18: {  	[tilespmem:s11], [sflag:$0x3] =	stream.linear.gather [hbm4b:s8+s3], $0x100, $0x38;
	[tilespmem:$0x1FA00] =	vst v63  }
0x19: {  	_ =	swait.ge [sflag:s10], $0x100  }
0x1a: {  	[sflag:s10] =	ssyncset.done $0x0  }
0x1b: {  	[sflag:s10] =	ssyncadd.s32 $0xFFFFFF00  }
0x1c: {  	[tilespmem:s12], [sflag:$0x3] =	stream.linear.gather [hbm4b:s2+s3], $0x6000, $0x38;
	[tilespmem:$0x1FA00] =	vst v63  }
.Ltmp2:
0x1d: {  	_ = 	snop;
	(pc) =	sbr.rel .LBB2_2-.Ltmp2, $4  }
0x1e: {  	_ =	swait.ge [sflag:s10], $0x6000  }
0x1f: {  	s23 =	simm.s32 $0xFFFFFF80;
	s22 =	simm.s32 $0x0;
	[sflag:s10] =	ssyncset.done $0x0  }
0x20: {  	s18 =	simm.s32 $0x0;
	s19 =	simm.s32 $0x0;
	[sflag:s10] =	ssyncadd.s32 $0xFFFFA000  }
0x21: {  	[tilespmem:s13], [sflag:$0x1] =	stream.linear.gather [hbm4b:s5+s3], $0xC000, $0x38;
	[tilespmem:$0x1FA00] =	vst v63  }
.LBB2_17:
0x22: {  	s19 =	sadd.s32 $0x1, s19  }
0x23: {  	p0 =	sne.s32 s19, $0x20  }
.Ltmp3:
0x24: {  	s20 =	sadd.s32 s4, s20;
	(pc) =	sbr.rel @!p0 .LBB2_18-.Ltmp3, $3  }
0x25: {  	s20 =	smul.u32 $0x60, s20;
	_ =	sdelay $0x1  }
0x26: {  	s20 =	sadd.s32 s6, s20  }
0x27: {  	[hbm4b:s20+s3] =	stream.linear.scatter [tilespmem:s14], [sflag:$0x2], $0x1800, $0x38;
	[tilespmem:$0x1FA00] =	vst v63  }
.LBB2_2:
.Ltmp4:
0x28: {  	p0 =	seq.s32 s19, $0x0;
	(pc) =	sbr.rel .LBB2_3-.Ltmp4, $4  }
0x29: {  	s21 =	simm.s32 @!p0 $0x2  }
0x2a: {  	_ =	swait.ge @!p0 [sflag:s21], $0x1800  }
0x2b: {  	[sflag:s21] =	ssyncset.done @!p0 $0x0  }
0x2c: {  	s20 =	sshll.u32 s19, $0x3;
	[sflag:s21] =	ssyncadd.s32 @!p0 $0xFFFFE800;
	s21 =	simm.s32 $0x0  }
.LBB2_4:
0x2d: {  	v48 =	vimm.f32 $0.0e+00;
	v47 =	vimm.f32 $0.0e+00  }
0x2e: {  	v46 =	vimm.f32 $0.0e+00;
	v45 =	vimm.f32 $0.0e+00;
	v44 =	vimm.f32 $0.0e+00  }
0x2f: {  	v43 =	vimm.f32 $0.0e+00;
	v42 =	vimm.f32 $0.0e+00;
	v41 =	vimm.f32 $0.0e+00  }
0x30: {  	v40 =	vimm.f32 $0.0e+00;
	v39 =	vimm.f32 $0.0e+00;
	v38 =	vimm.f32 $0.0e+00  }
0x31: {  	v37 =	vimm.f32 $0.0e+00;
	v36 =	vimm.f32 $0.0e+00;
	v35 =	vimm.f32 $0.0e+00  }
0x32: {  	v34 =	vimm.f32 $0.0e+00;
	v33 =	vimm.f32 $0.0e+00;
	v32 =	vimm.f32 $0.0e+00  }
0x33: {  	v31 =	vimm.f32 $0.0e+00;
	v30 =	vimm.f32 $0.0e+00;
	v29 =	vimm.f32 $0.0e+00  }
0x34: {  	v28 =	vimm.f32 $0.0e+00;
	v27 =	vimm.f32 $0.0e+00;
	v26 =	vimm.f32 $0.0e+00  }
0x35: {  	v25 =	vimm.f32 $0.0e+00;
	v24 =	vimm.f32 $0.0e+00;
	v23 =	vimm.f32 $0.0e+00  }
0x36: {  	v22 =	vimm.f32 $0.0e+00;
	v21 =	vimm.f32 $0.0e+00;
	v20 =	vimm.f32 $0.0e+00  }
0x37: {  	v19 =	vimm.f32 $0.0e+00;
	v18 =	vimm.f32 $0.0e+00;
	v17 =	vimm.f32 $0.0e+00  }
0x38: {  	v16 =	vimm.f32 $0.0e+00;
	v15 =	vimm.f32 $0.0e+00;
	v14 =	vimm.f32 $0.0e+00  }
0x39: {  	v13 =	vimm.f32 $0.0e+00;
	v12 =	vimm.f32 $0.0e+00;
	v11 =	vimm.f32 $0.0e+00  }
0x3a: {  	v10 =	vimm.f32 $0.0e+00;
	v9 =	vimm.f32 $0.0e+00;
	v8 =	vimm.f32 $0.0e+00  }
0x3b: {  	v7 =	vimm.f32 $0.0e+00;
	v6 =	vimm.f32 $0.0e+00;
	v5 =	vimm.f32 $0.0e+00  }
0x3c: {  	v4 =	vimm.f32 $0.0e+00;
	v3 =	vimm.f32 $0.0e+00;
	v2 =	vimm.f32 $0.0e+00  }
.LBB2_16:
0x3d: {  	s24 =	sshrl.u32 s24, $0x1B  }
0x3e: {  	s24 =	smul.u32 $0xC00, s24;
	_ =	sdelay $0x1  }
0x3f: {  	s25 =	sshrl.u32 s24, $0x2  }
0x40: {  	v49 =	vld [tilespmem:s25+$0x2F0];
	_ =	sdelay $0x4  }
0x41: {  	[tilespmem:$0x1FD50] =	vst v49;
	v49 =	vld [tilespmem:s25+$0x300];
	_ =	sdelay $0x4  }
0x42: {  	[tilespmem:$0x1FD60] =	vst v49;
	v49 =	vld [tilespmem:s25+$0x310];
	_ =	sdelay $0x4  }
0x43: {  	[tilespmem:$0x1FD70] =	vst v49;
	v49 =	vld [tilespmem:s25+$0x320];
	_ =	sdelay $0x4  }
0x44: {  	[tilespmem:$0x1FD80] =	vst v49;
	v49 =	vld [tilespmem:s25+$0x330];
	_ =	sdelay $0x4  }
0x45: {  	[tilespmem:$0x1FD90] =	vst v49;
	v49 =	vld [tilespmem:s25+$0x340];
	_ =	sdelay $0x4  }
0x46: {  	[tilespmem:$0x1FDA0] =	vst v49;
	v49 =	vld [tilespmem:s25+$0x350];
	_ =	sdelay $0x4  }
0x47: {  	[tilespmem:$0x1FDB0] =	vst v49;
	v49 =	vld [tilespmem:s25+$0x360];
	_ =	sdelay $0x4  }
0x48: {  	[tilespmem:$0x1FDC0] =	vst v49;
	v49 =	vld [tilespmem:s25+$0x370];
	_ =	sdelay $0x4  }
0x49: {  	[tilespmem:$0x1FDD0] =	vst v49;
	v49 =	vld [tilespmem:s25+$0x380];
	_ =	sdelay $0x4  }
0x4a: {  	[tilespmem:$0x1FDE0] =	vst v49;
	v49 =	vld [tilespmem:s25+$0x390];
	_ =	sdelay $0x4  }
0x4b: {  	[tilespmem:$0x1FDF0] =	vst v49;
	v49 =	vld [tilespmem:s25+$0x3A0];
	_ =	sdelay $0x4  }
0x4c: {  	[tilespmem:$0x1FE00] =	vst v49;
	v49 =	vld [tilespmem:s25+$0x3B0];
	_ =	sdelay $0x4  }
0x4d: {  	[tilespmem:$0x1FE10] =	vst v49;
	v49 =	vld [tilespmem:s25+$0x3C0];
	_ =	sdelay $0x4  }
0x4e: {  	[tilespmem:$0x1FE20] =	vst v49;
	v49 =	vld [tilespmem:s25+$0x3D0];
	_ =	sdelay $0x4  }
0x4f: {  	[tilespmem:$0x1FE30] =	vst v49;
	v49 =	vld [tilespmem:s25+$0x3E0];
	_ =	sdelay $0x4  }
0x50: {  	[tilespmem:$0x1FE40] =	vst v49;
	v49 =	vld [tilespmem:s25+$0x3F0];
	_ =	sdelay $0x4  }
0x51: {  	[tilespmem:$0x1FE50] =	vst v49;
	v49 =	vld [tilespmem:s25+$0x400];
	_ =	sdelay $0x4  }
0x52: {  	[tilespmem:$0x1FE60] =	vst v49;
	v49 =	vld [tilespmem:s25+$0x410];
	_ =	sdelay $0x4  }
0x53: {  	[tilespmem:$0x1FE70] =	vst v49;
	v49 =	vld [tilespmem:s25+$0x420];
	_ =	sdelay $0x4  }
0x54: {  	[tilespmem:$0x1FE80] =	vst v49;
	v49 =	vld [tilespmem:s25+$0x430];
	_ =	sdelay $0x4  }
0x55: {  	[tilespmem:$0x1FE90] =	vst v49;
	v49 =	vld [tilespmem:s25+$0x440];
	_ =	sdelay $0x4  }
0x56: {  	[tilespmem:$0x1FEA0] =	vst v49;
	v49 =	vld [tilespmem:s25+$0x450];
	_ =	sdelay $0x4  }
0x57: {  	[tilespmem:$0x1FEB0] =	vst v49;
	v49 =	vld [tilespmem:s25+$0x460];
	_ =	sdelay $0x4  }
0x58: {  	[tilespmem:$0x1FEC0] =	vst v49;
	v49 =	vld [tilespmem:s25+$0x470];
	_ =	sdelay $0x4  }
0x59: {  	[tilespmem:$0x1FED0] =	vst v49;
	v49 =	vld [tilespmem:s25+$0x480];
	_ =	sdelay $0x4  }
0x5a: {  	[tilespmem:$0x1FEE0] =	vst v49;
	v49 =	vld [tilespmem:s25+$0x490];
	_ =	sdelay $0x4  }
0x5b: {  	[tilespmem:$0x1FEF0] =	vst v49;
	v49 =	vld [tilespmem:s25+$0x4A0]  }
0x5c: {  	v50 =	vld [tilespmem:s25+$0x200]  }
0x5d: {  	v53 =	vld [tilespmem:s25+$0x210]  }
0x5e: {  	v54 =	vld [tilespmem:s25+$0x220]  }
0x5f: {  	v55 =	vld [tilespmem:s25+$0x230]  }
0x60: {  	[tilespmem:$0x1FF00] =	vst v49;
	v49 =	vld [tilespmem:s25+$0x4B0]  }
0x61: {  	v56 =	vld [tilespmem:s25+$0x240]  }
0x62: {  	v57 =	vld [tilespmem:s25+$0x250]  }
0x63: {  	v58 =	vld [tilespmem:s25+$0x260]  }
0x64: {  	v0 =	vld [tilespmem:s25+$0x2E0]  }
0x65: {  	[tilespmem:$0x1FF10] =	vst v49;
	v49 =	vld [tilespmem:$0x1FFF0]  }
0x66: {  	v59 =	vld [tilespmem:s25+$0x270]  }
0x67: {  	v60 =	vld [tilespmem:s25+$0x280]  }
0x68: {  	v61 =	vld [tilespmem:s25+$0x290]  }
0x69: {  	v62 =	vld [tilespmem:s25+$0x2A0]  }
0x6a: {  	[tilespmem:$0x1FD40] =	vst v0;
	v0 =	vmul.f32 v48, v49;
	v48 =	vld [tilespmem:s25+$0x4C0]  }
0x6b: {  	v63 =	vld [tilespmem:s25+$0x2B0]  }
0x6c: {  	v51 =	vld [tilespmem:s25+$0x2C0]  }
0x6d: {  	s31 =	smul.u32 $0xC00, s21;
	v52 =	vld [tilespmem:s25+$0x2D0];
	v47 =	vmul.f32 v47, v49  }
0x6e: {  	v43 =	vmul.f32 v43, v49;
	v0 =	vadd.f32 v50, v0;
	v50 =	vmul.f32 v46, v49;
	v46 =	vld [tilespmem:s25+$0x4E0]  }
0x6f: {  	s24 =	sshra.s32 s31, $0x2;
	v42 =	vmul.f32 v42, v49;
	v47 =	vadd.f32 v53, v47;
	v53 =	vmul.f32 v45, v49;
	v45 =	vld [tilespmem:s25+$0x4F0];
	[tilespmem:$0x1FF20] =	vst v48  }
0x70: {  	v39 =	vmul.f32 v39, v49;
	v43 =	vadd.f32 v57, v43;
	v48 =	vld [tilespmem:s25+$0x4D0];
	[tilespmem:s24+$0x6200] =	vst v0  }
0x71: {  	v38 =	vmul.f32 v38, v49;
	v42 =	vadd.f32 v58, v42;
	[tilespmem:s24+$0x6210] =	vst v47  }
0x72: {  	v37 =	vmul.f32 v37, v49;
	v39 =	vadd.f32 v61, v39;
	[tilespmem:s24+$0x6250] =	vst v43  }
0x73: {  	v35 =	vmul.f32 v35, v49;
	v38 =	vadd.f32 v62, v38;
	[tilespmem:s24+$0x6260] =	vst v42  }
0x74: {  	v57 =	vadd.f32 v63, v37;
	v58 =	vld [tilespmem:$0x1FD40];
	[tilespmem:s24+$0x6290] =	vst v39  }
0x75: {  	v35 =	vadd.f32 v52, v35;
	v62 =	vld [tilespmem:$0x1FD70];
	[tilespmem:s24+$0x62A0] =	vst v38  }
0x76: {  	v41 =	vmul.f32 v41, v49;
	v63 =	vld [tilespmem:$0x1FD80];
	v50 =	vadd.f32 v54, v50;
	[tilespmem:s24+$0x62B0] =	vst v57  }
0x77: {  	v34 =	vmul.f32 v34, v49;
	v52 =	vld [tilespmem:$0x1FE80];
	v53 =	vadd.f32 v55, v53;
	[tilespmem:s24+$0x62D0] =	vst v35  }
0x78: {  	v31 =	vmul.f32 v31, v49;
	v55 =	vadd.f32 v59, v41;
	[tilespmem:s24+$0x6220] =	vst v50  }
0x79: {  	v30 =	vmul.f32 v30, v49;
	[tilespmem:s24+$0x6230] =	vst v53;
	v34 =	vadd.f32 v58, v34  }
0x7a: {  	v14 =	vmul.f32 v14, v49;
	[tilespmem:s24+$0x6270] =	vst v55;
	v31 =	vadd.f32 v62, v31  }
0x7b: {  	v2 =	vmul.f32 v2, v49;
	v54 =	vmul.f32 v40, v49;
	v40 =	vld [tilespmem:$0x1FDF0];
	v30 =	vadd.f32 v63, v30;
	[tilespmem:s24+$0x62E0] =	vst v34  }
0x7c: {  	v1 =	vmul.f32 v1, v49;
	v41 =	vld [tilespmem:$0x1FE00];
	v14 =	vadd.f32 v52, v14;
	[tilespmem:s24+$0x6310] =	vst v31  }
0x7d: {  	v35 =	vld [tilespmem:$0x1FDB0];
	v2 =	vadd.f32 v46, v2;
	[tilespmem:s24+$0x6320] =	vst v30  }
0x7e: {  	v23 =	vmul.f32 v23, v49;
	v1 =	vadd.f32 v45, v1;
	[tilespmem:s24+$0x6420] =	vst v14  }
0x7f: {  	v22 =	vmul.f32 v22, v49;
	v38 =	vld [tilespmem:$0x1FDD0];
	[tilespmem:s24+$0x64E0] =	vst v2  }
0x80: {  	v27 =	vmul.f32 v27, v49;
	v43 =	vld [tilespmem:$0x1FE20];
	v23 =	vadd.f32 v40, v23;
	[tilespmem:s24+$0x64F0] =	vst v1  }
0x81: {  	v50 =	vld [tilespmem:$0x1FE60];
	v22 =	vadd.f32 v41, v22;
	[tilespmem:$0x1FF30] =	vst v48;
	v48 =	vmul.f32 v44, v49  }
0x82: {  	v25 =	vmul.f32 v25, v49;
	v27 =	vadd.f32 v35, v27;
	[tilespmem:s24+$0x6390] =	vst v23  }
0x83: {  	v20 =	vmul.f32 v20, v49;
	v53 =	vld [tilespmem:$0x1FE90];
	[tilespmem:s24+$0x63A0] =	vst v22;
	v0 =	vadd.f32 v56, v48  }
0x84: {  	v16 =	vmul.f32 v16, v49;
	v37 =	vmul.f32 v24, v49;
	v24 =	vadd.f32 v38, v25;
	[tilespmem:s24+$0x6350] =	vst v27  }
0x85: {  	v20 =	vadd.f32 v43, v20;
	[tilespmem:s24+$0x6240] =	vst v0;
	v0 =	vadd.f32 v60, v54;
	v60 =	vld [tilespmem:$0x1FD50]  }
0x86: {  	v13 =	vmul.f32 v13, v49;
	v55 =	vld [tilespmem:$0x1FEB0];
	v16 =	vadd.f32 v50, v16;
	[tilespmem:s24+$0x6370] =	vst v24  }
0x87: {  	v61 =	vld [tilespmem:$0x1FD60];
	v56 =	vmul.f32 v36, v49;
	[tilespmem:s24+$0x63C0] =	vst v20  }
0x88: {  	v33 =	vmul.f32 v33, v49;
	v58 =	vld [tilespmem:$0x1FEE0];
	v13 =	vadd.f32 v53, v13;
	[tilespmem:s24+$0x6400] =	vst v16  }
0x89: {  	v11 =	vmul.f32 v11, v49;
	v34 =	vld [tilespmem:$0x1FDA0];
	[tilespmem:s24+$0x6280] =	vst v0;
	v0 =	vadd.f32 v51, v56  }
0x8a: {  	v59 =	vmul.f32 v32, v49;
	v62 =	vld [tilespmem:$0x1FF20];
	[tilespmem:s24+$0x6430] =	vst v13;
	v32 =	vadd.f32 v60, v33  }
0x8b: {  	v8 =	vmul.f32 v8, v49;
	v39 =	vld [tilespmem:$0x1FDE0];
	v11 =	vadd.f32 v55, v11;
	[tilespmem:s24+$0x62C0] =	vst v0  }
0x8c: {  	v44 =	vld [tilespmem:$0x1FE30];
	v0 =	vadd.f32 v61, v59;
	[tilespmem:s24+$0x62F0] =	vst v32;
	v32 =	vmul.f32 v28, v49  }
0x8d: {  	v4 =	vmul.f32 v4, v49;
	v42 =	vld [tilespmem:$0x1FE10];
	v8 =	vadd.f32 v58, v8;
	[tilespmem:s24+$0x6450] =	vst v11  }
0x8e: {  	v36 =	vld [tilespmem:$0x1FDC0];
	[tilespmem:s24+$0x6300] =	vst v0;
	v0 =	vadd.f32 v34, v32  }
0x8f: {  	v19 =	vmul.f32 v19, v49;
	v47 =	vld [tilespmem:$0x1FE40];
	v4 =	vadd.f32 v62, v4;
	[tilespmem:s24+$0x6480] =	vst v8  }
0x90: {  	v21 =	vmul.f32 v21, v49;
	v48 =	vld [tilespmem:$0x1FE50];
	[tilespmem:s24+$0x6340] =	vst v0;
	v0 =	vadd.f32 v39, v37  }
0x91: {  	v26 =	vmul.f32 v26, v49;
	[tilespmem:s24+$0x64C0] =	vst v4;
	v19 =	vadd.f32 v44, v19;
	v51 =	vld [tilespmem:$0x1FE70]  }
0x92: {  	v18 =	vmul.f32 v18, v49;
	v56 =	vld [tilespmem:$0x1FEC0];
	[tilespmem:s24+$0x6380] =	vst v0;
	v0 =	vadd.f32 v42, v21  }
0x93: {  	v17 =	vmul.f32 v17, v49;
	v54 =	vld [tilespmem:$0x1FEA0];
	v26 =	vadd.f32 v36, v26;
	[tilespmem:s24+$0x63D0] =	vst v19  }
0x94: {  	v15 =	vmul.f32 v15, v49;
	v59 =	vld [tilespmem:$0x1FEF0];
	[tilespmem:s24+$0x63B0] =	vst v0;
	v0 =	vadd.f32 v47, v18  }
0x95: {  	v10 =	vmul.f32 v10, v49;
	v57 =	vld [tilespmem:$0x1FED0];
	v17 =	vadd.f32 v48, v17;
	[tilespmem:s24+$0x6360] =	vst v26  }
0x96: {  	v12 =	vmul.f32 v12, v49;
	v61 =	vld [tilespmem:$0x1FF10];
	[tilespmem:s24+$0x63E0] =	vst v0;
	v0 =	vadd.f32 v51, v15  }
0x97: {  	v7 =	vmul.f32 v7, v49;
	[tilespmem:s24+$0x63F0] =	vst v17;
	v60 =	vld [tilespmem:$0x1FF00];
	v10 =	vadd.f32 v56, v10  }
0x98: {  	v9 =	vmul.f32 v9, v49;
	v33 =	vld [tilespmem:$0x1FD90];
	[tilespmem:s24+$0x6410] =	vst v0;
	v0 =	vadd.f32 v54, v12  }
0x99: {  	v5 =	vmul.f32 v5, v49;
	v63 =	vld [tilespmem:$0x1FF30];
	[tilespmem:s24+$0x6460] =	vst v10;
	v7 =	vadd.f32 v59, v7  }
0x9a: {  	s21 =	sadd.s32 $0x1, s21;
	v6 =	vmul.f32 v6, v49;
	[tilespmem:s24+$0x6440] =	vst v0;
	v0 =	vadd.f32 v57, v9  }
0x9b: {  	p0 =	sne.s32 s21, $0x8;
	v29 =	vmul.f32 v29, v49;
	v5 =	vadd.f32 v61, v5;
	[tilespmem:s24+$0x6490] =	vst v7  }
.Ltmp5:
0x9c: {  	v3 =	vmul.f32 v3, v49;
	[tilespmem:s24+$0x6470] =	vst v0;
	v0 =	vadd.f32 v60, v6;
	(pc) =	sbr.rel @!p0 .LBB2_17-.Ltmp5, $4  }
0x9d: {  	v28 =	vadd.f32 v33, v29;
	[tilespmem:s24+$0x64B0] =	vst v5  }
0x9e: {  	[tilespmem:s24+$0x64A0] =	vst v0;
	v0 =	vadd.f32 v63, v3  }
0x9f: {  	[tilespmem:s24+$0x6330] =	vst v28  }
0xa0: {  	[tilespmem:s24+$0x64D0] =	vst v0  }
.LBB2_3:
0xa1: {  	s24 =	sor.u32 s20, s21  }
0xa2: {  	v0 =	vmov s24;
	_ =	sdelay $0x4  }
0xa3: {  	v1 =	vld.idx.msk [tilespmem:v0+s3+$0x0], $0xffff;
	_ =	sdelay $0x4  }
0xa4: {  	(v2sf) =	vpush v1, $0x0;
	_ =	sdelay $0xe  }
0xa5: {  	s24 =	spop (v2sf)  }
0xa6: {  	s25 =	sshrl.u32 s24, $0xF  }
0xa7: {  	s25 =	sand.u32 $0xFFF, s25  }
0xa8: {  	v0 =	vld.idx.msk [tilespmem:v0+s11+$0x0], $0xffff;
	p0 =	seq.s32 s25, $0x0  }
.Ltmp6:
0xa9: {  	_ = 	snop;
	(pc) =	sbr.rel @p0 .LBB2_4-.Ltmp6, $2  }
0xaa: {  	_ =	sdelay $0x2  }
0xab: {  	[tilespmem:$0x1FFF0] =	vst v0;
	v1 =	vimm.f32 $0.0e+00  }
0xac: {  	v2 =	vimm.f32 $0.0e+00;
	v3 =	vimm.f32 $0.0e+00  }
0xad: {  	v4 =	vimm.f32 $0.0e+00;
	v5 =	vimm.f32 $0.0e+00;
	v6 =	vimm.f32 $0.0e+00  }
0xae: {  	v7 =	vimm.f32 $0.0e+00;
	v8 =	vimm.f32 $0.0e+00;
	v9 =	vimm.f32 $0.0e+00  }
0xaf: {  	v10 =	vimm.f32 $0.0e+00;
	v11 =	vimm.f32 $0.0e+00;
	v12 =	vimm.f32 $0.0e+00  }
0xb0: {  	v13 =	vimm.f32 $0.0e+00;
	v14 =	vimm.f32 $0.0e+00;
	v15 =	vimm.f32 $0.0e+00  }
0xb1: {  	v16 =	vimm.f32 $0.0e+00;
	v17 =	vimm.f32 $0.0e+00;
	v18 =	vimm.f32 $0.0e+00  }
0xb2: {  	v19 =	vimm.f32 $0.0e+00;
	v20 =	vimm.f32 $0.0e+00;
	v21 =	vimm.f32 $0.0e+00  }
0xb3: {  	v22 =	vimm.f32 $0.0e+00;
	v23 =	vimm.f32 $0.0e+00;
	v24 =	vimm.f32 $0.0e+00  }
0xb4: {  	v25 =	vimm.f32 $0.0e+00;
	v26 =	vimm.f32 $0.0e+00;
	v27 =	vimm.f32 $0.0e+00  }
0xb5: {  	v28 =	vimm.f32 $0.0e+00;
	v29 =	vimm.f32 $0.0e+00;
	v30 =	vimm.f32 $0.0e+00  }
0xb6: {  	v31 =	vimm.f32 $0.0e+00;
	v32 =	vimm.f32 $0.0e+00;
	v33 =	vimm.f32 $0.0e+00  }
.Ltmp7:
0xb7: {  	v34 =	vimm.f32 $0.0e+00;
	v35 =	vimm.f32 $0.0e+00;
	v36 =	vimm.f32 $0.0e+00;
	(pc) =	sbr.rel .LBB2_6-.Ltmp7, $4  }
0xb8: {  	v37 =	vimm.f32 $0.0e+00;
	v38 =	vimm.f32 $0.0e+00;
	v39 =	vimm.f32 $0.0e+00  }
0xb9: {  	v40 =	vimm.f32 $0.0e+00;
	v41 =	vimm.f32 $0.0e+00;
	v42 =	vimm.f32 $0.0e+00  }
0xba: {  	s29 =	sand.u32 $0x7FFF, s24;
	v43 =	vimm.f32 $0.0e+00;
	v44 =	vimm.f32 $0.0e+00;
	v45 =	vimm.f32 $0.0e+00  }
0xbb: {  	v46 =	vimm.f32 $0.0e+00;
	v47 =	vimm.f32 $0.0e+00;
	v48 =	vimm.f32 $0.0e+00;
	s25 =	sadd.s32 s29, s25  }
.LBB2_10:
0xbc: {  	_ = 	snop  }
0xbd: {  	v5 =	vadd.f32 v49, v5  }
0xbe: {  	v4 =	vadd.f32 v50, v4;
	v3 =	vadd.f32 v51, v3  }
0xbf: {  	v2 =	vadd.f32 v52, v2;
	v48 =	vadd.f32 v53, v48  }
.LBB2_11:
0xc0: {  	s29 =	sadd.s32 s23, s26  }
.LBB2_15:
0xc1: {  	p0 =	slt.s32 s29, s25  }
.Ltmp8:
0xc2: {  	_ = 	snop;
	(pc) =	sbr.rel @!p0 .LBB2_16-.Ltmp8, $1  }
0xc3: {  	_ =	sdelay $0x3  }
.LBB2_6:
0xc4: {  	p0 =	slt.s32 s29, s23;
	s26 =	sadd.s32 $0x40, s23  }
0xc5: {  	p1 =	sge.s32 @!p0 s29, s26  }
0xc6: {  	p0 =	por p0, p1  }
.Ltmp9:
0xc7: {  	_ = 	snop;
	(pc) =	sbr.rel @p0 .LBB2_12-.Ltmp9, $1  }
0xc8: {  	_ =	sdelay $0x3  }
0xc9: {  	s26 =	ssub.s32 s25, s23  }
0xca: {  	p0 =	slt.s32 s26, $0x40  }
0xcb: {  	s28 =	ssub.s32 s29, s23;
	s26 =	simm.s32 @!p0 $0x40  }
0xcc: {  	p0 =	sge.s32 s28, s26  }
.Ltmp10:
0xcd: {  	_ = 	snop;
	(pc) =	sbr.rel @p0 .LBB2_11-.Ltmp10, $1  }
0xce: {  	_ =	sdelay $0x3  }
0xcf: {  	s30 =	smul.u32 $0x30000, s18  }
0xd0: {  	s29 =	smul.u32 $0xC00, s29  }
0xd1: {  	s31 =	smul.u32 $0xC00, s23  }
0xd2: {  	s29 =	sadd.s32 s29, s30  }
0xd3: {  	s29 =	ssub.s32 s29, s31  }
0xd4: {  	s29 =	sshra.s32 s29, $0x2  }
0xd5: {  	s29 =	sadd.s32 $0x7B80, s29  }
0xd6: {  	v0 =	vld [tilespmem:s29+$0xFFFFFF70];
	_ =	sdelay $0x4  }
0xd7: {  	[tilespmem:$0x1FF40] =	vst v0;
	v0 =	vld [tilespmem:s29+$0xFFFFFF80];
	_ =	sdelay $0x4  }
0xd8: {  	[tilespmem:$0x1FF50] =	vst v0;
	v0 =	vld [tilespmem:s29+$0xFFFFFF90];
	_ =	sdelay $0x3  }
0xd9: {  	v49 =	vld [tilespmem:s29+$0x170]  }
0xda: {  	[tilespmem:$0x1FF60] =	vst v0;
	v0 =	vld [tilespmem:s29+$0xFFFFFFA0]  }
0xdb: {  	v50 =	vld [tilespmem:s29+$0xFFFFFE90]  }
0xdc: {  	v51 =	vld [tilespmem:s29+$0xFFFFFEA0]  }
0xdd: {  	v52 =	vld [tilespmem:s29+$0xFFFFFEB0]  }
0xde: {  	v53 =	vld [tilespmem:s29+$0xFFFFFEC0]  }
0xdf: {  	[tilespmem:$0x1FF70] =	vst v0;
	v0 =	vld [tilespmem:s29+$0xFFFFFFB0]  }
0xe0: {  	v54 =	vld [tilespmem:s29+$0xFFFFFED0]  }
0xe1: {  	v55 =	vld [tilespmem:s29+$0xFFFFFEE0]  }
0xe2: {  	v56 =	vld [tilespmem:s29+$0xFFFFFEF0]  }
0xe3: {  	v57 =	vld [tilespmem:s29+$0xFFFFFF00]  }
0xe4: {  	[tilespmem:$0x1FF80] =	vst v0;
	v0 =	vld [tilespmem:s29+$0xFFFFFFC0]  }
0xe5: {  	v58 =	vld [tilespmem:s29+$0xFFFFFF10]  }
0xe6: {  	v59 =	vld [tilespmem:s29+$0xFFFFFF20]  }
0xe7: {  	v60 =	vld [tilespmem:s29+$0xFFFFFF30]  }
0xe8: {  	v61 =	vld [tilespmem:s29+$0xFFFFFF40]  }
0xe9: {  	[tilespmem:$0x1FF90] =	vst v0;
	v0 =	vld [tilespmem:s29+$0xFFFFFFD0]  }
0xea: {  	v62 =	vld [tilespmem:s29+$0xFFFFFF50]  }
0xeb: {  	v63 =	vld [tilespmem:s29+$0xFFFFFF60]  }
0xec: {  	v1 =	vadd.f32 v49, v1;
	v49 =	vld [tilespmem:s29+$0x20]  }
0xed: {  	v47 =	vadd.f32 v50, v47;
	v50 =	vld [tilespmem:s29+$0x30]  }
0xee: {  	[tilespmem:$0x1FFA0] =	vst v0;
	v0 =	vld [tilespmem:s29+$0xFFFFFFE0]  }
0xef: {  	v46 =	vadd.f32 v51, v46;
	v51 =	vld [tilespmem:s29+$0x40]  }
0xf0: {  	v45 =	vadd.f32 v52, v45;
	v52 =	vld [tilespmem:s29+$0x50]  }
0xf1: {  	v44 =	vadd.f32 v53, v44;
	v53 =	vld [tilespmem:s29+$0x60]  }
0xf2: {  	v43 =	vadd.f32 v54, v43;
	v54 =	vld [tilespmem:s29+$0x70]  }
0xf3: {  	[tilespmem:$0x1FFB0] =	vst v0;
	v0 =	vld [tilespmem:s29+$0xFFFFFFF0]  }
0xf4: {  	v42 =	vadd.f32 v55, v42;
	v55 =	vld [tilespmem:s29+$0x80]  }
0xf5: {  	v41 =	vadd.f32 v56, v41;
	v56 =	vld [tilespmem:s29+$0x90]  }
0xf6: {  	v40 =	vadd.f32 v57, v40;
	v57 =	vld [tilespmem:s29+$0xB0]  }
0xf7: {  	v39 =	vadd.f32 v58, v39;
	v58 =	vld [tilespmem:s29+$0xC0]  }
0xf8: {  	[tilespmem:$0x1FFC0] =	vst v0;
	v0 =	vld [tilespmem:s29+$0x0]  }
0xf9: {  	v38 =	vadd.f32 v59, v38;
	v59 =	vld [tilespmem:s29+$0xD0]  }
0xfa: {  	v18 =	vadd.f32 v53, v18;
	v53 =	vld [tilespmem:s29+$0x110]  }
0xfb: {  	v37 =	vadd.f32 v60, v37;
	v60 =	vld [tilespmem:$0x1FF90]  }
0xfc: {  	v36 =	vadd.f32 v61, v36;
	v61 =	vld [tilespmem:$0x1FF60]  }
0xfd: {  	[tilespmem:$0x1FFD0] =	vst v0;
	v0 =	vld [tilespmem:s29+$0x10]  }
0xfe: {  	v22 =	vadd.f32 v49, v22;
	v49 =	vld [tilespmem:s29+$0x130]  }
0xff: {  	v35 =	vadd.f32 v62, v35;
	v62 =	vld [tilespmem:$0x1FF70]  }
0x100: {  	v28 =	vadd.f32 v60, v28;
	v60 =	vld [tilespmem:$0x1FFC0]  }
0x101: {  	v31 =	vadd.f32 v61, v31;
	v61 =	vld [tilespmem:$0x1FFA0]  }
0x102: {  	[tilespmem:$0x1FFE0] =	vst v0;
	v0 =	vld [tilespmem:$0x1FF40]  }
0x103: {  	v34 =	vadd.f32 v63, v34;
	v63 =	vld [tilespmem:$0x1FF80]  }
0x104: {  	v30 =	vadd.f32 v62, v30;
	v62 =	vld [tilespmem:$0x1FFB0]  }
0x105: {  	v25 =	vadd.f32 v60, v25;
	v60 =	vld [tilespmem:$0x1FFD0]  }
0x106: {  	v27 =	vadd.f32 v61, v27;
	v61 =	vld [tilespmem:$0x1FFE0]  }
0x107: {  	v33 =	vadd.f32 v0, v33;
	v0 =	vld [tilespmem:$0x1FF50]  }
0x108: {  	v21 =	vadd.f32 v50, v21;
	v29 =	vadd.f32 v63, v29;
	v63 =	vld [tilespmem:s29+$0x120]  }
0x109: {  	v20 =	vadd.f32 v51, v20;
	v26 =	vadd.f32 v62, v26;
	v62 =	vld [tilespmem:s29+$0x100]  }
0x10a: {  	s28 =	ssub.s32 s28, s26;
	v19 =	vadd.f32 v52, v19;
	v24 =	vadd.f32 v60, v24;
	v60 =	vld [tilespmem:s29+$0xE0]  }
0x10b: {  	s28 =	sadd.s32 $0x1, s28;
	v17 =	vadd.f32 v54, v17;
	v23 =	vadd.f32 v61, v23;
	v61 =	vld [tilespmem:s29+$0xF0]  }
0x10c: {  	p0 =	seq.s32 s28, $0x0;
	v16 =	vadd.f32 v55, v16;
	v32 =	vadd.f32 v0, v32;
	v0 =	vld [tilespmem:s29+$0xA0]  }
.Ltmp11:
0x10d: {  	v15 =	vadd.f32 v56, v15;
	v13 =	vadd.f32 v57, v13;
	v50 =	vld [tilespmem:s29+$0x140];
	(pc) =	sbr.rel @p0 .LBB2_10-.Ltmp11, $4  }
0x10e: {  	v12 =	vadd.f32 v58, v12;
	v11 =	vadd.f32 v59, v11;
	v51 =	vld [tilespmem:s29+$0x150]  }
0x10f: {  	v52 =	vld [tilespmem:s29+$0x160];
	v7 =	vadd.f32 v53, v7;
	v6 =	vadd.f32 v63, v6  }
0x110: {  	v53 =	vld [tilespmem:s29+$0xFFFFFE80];
	v8 =	vadd.f32 v62, v8;
	v10 =	vadd.f32 v60, v10  }
0x111: {  	s29 =	sadd.s32 $0x300, s29;
	v9 =	vadd.f32 v61, v9;
	v14 =	vadd.f32 v0, v14  }
.LBB2_9:
0x112: {  	v0 =	vld [tilespmem:s29+$0x170];
	s28 =	sadd.s32 $0x1, s28;
	v5 =	vadd.f32 v49, v5  }
0x113: {  	v4 =	vadd.f32 v50, v4;
	v49 =	vld [tilespmem:s29+$0xFFFFFE90];
	p0 =	seq.s32 s28, $0x0  }
0x114: {  	v3 =	vadd.f32 v51, v3;
	v50 =	vld [tilespmem:s29+$0xFFFFFEA0]  }
0x115: {  	v2 =	vadd.f32 v52, v2;
	v51 =	vld [tilespmem:s29+$0xFFFFFEB0]  }
0x116: {  	v48 =	vadd.f32 v53, v48;
	v52 =	vld [tilespmem:s29+$0xFFFFFEC0]  }
0x117: {  	v53 =	vld [tilespmem:s29+$0xFFFFFED0];
	v1 =	vadd.f32 v0, v1  }
0x118: {  	v47 =	vadd.f32 v49, v47;
	v0 =	vld [tilespmem:s29+$0xFFFFFEE0]  }
0x119: {  	v46 =	vadd.f32 v50, v46;
	v49 =	vld [tilespmem:s29+$0xFFFFFEF0]  }
0x11a: {  	v45 =	vadd.f32 v51, v45;
	v50 =	vld [tilespmem:s29+$0xFFFFFF00]  }
0x11b: {  	v44 =	vadd.f32 v52, v44;
	v51 =	vld [tilespmem:s29+$0xFFFFFF10]  }
0x11c: {  	v43 =	vadd.f32 v53, v43;
	v52 =	vld [tilespmem:s29+$0xFFFFFF20]  }
0x11d: {  	v42 =	vadd.f32 v0, v42;
	v0 =	vld [tilespmem:s29+$0xFFFFFF30]  }
0x11e: {  	v41 =	vadd.f32 v49, v41;
	v49 =	vld [tilespmem:s29+$0xFFFFFF40]  }
0x11f: {  	v40 =	vadd.f32 v50, v40;
	v50 =	vld [tilespmem:s29+$0xFFFFFF50]  }
0x120: {  	v39 =	vadd.f32 v51, v39;
	v51 =	vld [tilespmem:s29+$0xFFFFFF60]  }
0x121: {  	v38 =	vadd.f32 v52, v38;
	v52 =	vld [tilespmem:s29+$0xFFFFFF70]  }
0x122: {  	v37 =	vadd.f32 v0, v37;
	v0 =	vld [tilespmem:s29+$0xFFFFFF80]  }
0x123: {  	v36 =	vadd.f32 v49, v36;
	v49 =	vld [tilespmem:s29+$0xFFFFFF90]  }
0x124: {  	v35 =	vadd.f32 v50, v35;
	v50 =	vld [tilespmem:s29+$0xFFFFFFA0]  }
0x125: {  	v34 =	vadd.f32 v51, v34;
	v51 =	vld [tilespmem:s29+$0xFFFFFFB0]  }
0x126: {  	v33 =	vadd.f32 v52, v33;
	v52 =	vld [tilespmem:s29+$0xFFFFFFC0]  }
0x127: {  	v32 =	vadd.f32 v0, v32;
	v0 =	vld [tilespmem:s29+$0xFFFFFFD0]  }
0x128: {  	v31 =	vadd.f32 v49, v31;
	v49 =	vld [tilespmem:s29+$0xFFFFFFE0]  }
0x129: {  	v30 =	vadd.f32 v50, v30;
	v50 =	vld [tilespmem:s29+$0xFFFFFFF0]  }
0x12a: {  	v29 =	vadd.f32 v51, v29;
	v51 =	vld [tilespmem:s29+$0x0]  }
0x12b: {  	v28 =	vadd.f32 v52, v28;
	v52 =	vld [tilespmem:s29+$0x10]  }
0x12c: {  	v27 =	vadd.f32 v0, v27;
	v0 =	vld [tilespmem:s29+$0x20]  }
0x12d: {  	v26 =	vadd.f32 v49, v26;
	v49 =	vld [tilespmem:s29+$0x30]  }
0x12e: {  	v25 =	vadd.f32 v50, v25;
	v50 =	vld [tilespmem:s29+$0x40]  }
0x12f: {  	v24 =	vadd.f32 v51, v24;
	v51 =	vld [tilespmem:s29+$0x50]  }
0x130: {  	v23 =	vadd.f32 v52, v23;
	v52 =	vld [tilespmem:s29+$0x60]  }
0x131: {  	v22 =	vadd.f32 v0, v22;
	v0 =	vld [tilespmem:s29+$0x70]  }
0x132: {  	v21 =	vadd.f32 v49, v21;
	v49 =	vld [tilespmem:s29+$0x80]  }
0x133: {  	v20 =	vadd.f32 v50, v20;
	v50 =	vld [tilespmem:s29+$0x90]  }
0x134: {  	v19 =	vadd.f32 v51, v19;
	v51 =	vld [tilespmem:s29+$0xA0]  }
0x135: {  	v18 =	vadd.f32 v52, v18;
	v52 =	vld [tilespmem:s29+$0xB0]  }
0x136: {  	v17 =	vadd.f32 v0, v17;
	v0 =	vld [tilespmem:s29+$0xC0]  }
0x137: {  	v16 =	vadd.f32 v49, v16;
	v49 =	vld [tilespmem:s29+$0xD0]  }
0x138: {  	v15 =	vadd.f32 v50, v15;
	v50 =	vld [tilespmem:s29+$0xE0]  }
0x139: {  	v14 =	vadd.f32 v51, v14;
	v51 =	vld [tilespmem:s29+$0xF0]  }
0x13a: {  	v13 =	vadd.f32 v52, v13;
	v52 =	vld [tilespmem:s29+$0x100]  }
0x13b: {  	v12 =	vadd.f32 v0, v12;
	v0 =	vld [tilespmem:s29+$0x110]  }
0x13c: {  	v11 =	vadd.f32 v49, v11;
	v54 =	vld [tilespmem:s29+$0x120]  }
.Ltmp12:
0x13d: {  	v10 =	vadd.f32 v50, v10;
	v49 =	vld [tilespmem:s29+$0x130];
	(pc) =	sbr.rel @!p0 .LBB2_9-.Ltmp12, $4  }
0x13e: {  	v9 =	vadd.f32 v51, v9;
	v50 =	vld [tilespmem:s29+$0x140]  }
0x13f: {  	v8 =	vadd.f32 v52, v8;
	v51 =	vld [tilespmem:s29+$0x150]  }
0x140: {  	v7 =	vadd.f32 v0, v7;
	v52 =	vld [tilespmem:s29+$0x160]  }
0x141: {  	v53 =	vld [tilespmem:s29+$0xFFFFFE80];
	v6 =	vadd.f32 v54, v6;
	s29 =	sadd.s32 $0x300, s29  }
.Ltmp13:
0x142: {  	_ = 	snop;
	(pc) =	sbr.rel .LBB2_10-.Ltmp13, $1  }
0x143: {  	_ =	sdelay $0x3  }
.LBB2_12:
0x144: {  	p0 =	sle.s32 s22, s23  }
0x145: {  	p1 =	slt.s32 @!p0 s29, s22  }
0x146: {  	s28 =	sadd.s32 $0x40, s22;
	p0 =	por p0, p1  }
0x147: {  	p1 =	sge.s32 @!p0 s29, s28  }
0x148: {  	p0 =	por p0, p1  }
.Ltmp14:
0x149: {  	_ = 	snop;
	(pc) =	sbr.rel @p0 .LBB2_14-.Ltmp14, $2  }
0x14a: {  	_ =	sdelay $0x2  }
0x14b: {  	s26 =	smul.u32 $0x30000, s18  }
0x14c: {  	p0 =	slt.s32 s28, $0x7FC0  }
0x14d: {  	s28 =	simm.s32 @!p0 $0x7FC0  }
0x14e: {  	s23 =	smul.u32 $0x300, s28  }
.Ltmp15:
0x14f: {  	_ =	swait.ge [sflag:s16], $0xC000;
	(pc) =	sbr.rel .LBB2_15-.Ltmp15, $4  }
0x150: {  	[sflag:s16] =	ssyncset.done $0x0;
	s26 =	sshra.s32 s26, $0x2;
	s23 =	sshrl.u32 s23, $0x3  }
0x151: {  	[sflag:s16] =	ssyncadd.s32 $0xFFFF4000;
	s26 =	sadd.s32 $0x7A00, s26;
	s23 =	sadd.s32 s5, s23  }
0x152: {  	[tilespmem:s26], [sflag:$0x1] =	stream.linear.gather [hbm4b:s23+s3], $0xC000, $0x38;
	[tilespmem:$0x1FA00] =	vst v63  }
0x153: {  	s18 =	sxor.u32 $0x1, s18;
	s23 =	smov.u32 s22;
	s22 =	smov.u32 s28  }
.LBB2_14:
0x154: {  	p0 =	slt.s32 s29, $0x7FC0;
	s23 =	smov.u32 s29;
	s18 =	sxor.u32 $0x1, s18  }
0x155: {  	s23 =	simm.s32 @!p0 $0x7FC0;
	s28 =	smul.u32 $0x30000, s18  }
0x156: {  	s22 =	smul.u32 $0x300, s23  }
0x157: {  	_ =	swait.ge [sflag:s16], $0xC000  }
0x158: {  	[sflag:s16] =	ssyncset.done $0x0;
	s28 =	sshrl.u32 s28, $0x2;
	s22 =	sshrl.u32 s22, $0x3  }
0x159: {  	[sflag:s16] =	ssyncadd.s32 $0xFFFF4000;
	s28 =	sadd.s32 $0x7A00, s28;
	s22 =	sadd.s32 s5, s22  }
0x15a: {  	[tilespmem:s28], [sflag:$0x3] =	stream.linear.gather [hbm4b:s22+s3], $0xC000, $0x38;
	[tilespmem:$0x1FA00] =	vst v63  }
0x15b: {  	p0 =	slt.s32 s29, $0x7F80;
	s22 =	smov.u32 s29  }
0x15c: {  	s22 =	simm.s32 @!p0 $0x7F80  }
0x15d: {  	s22 =	sadd.s32 $0x40, s22  }
0x15e: {  	s31 =	smul.u32 $0x300, s22  }
.Ltmp16:
0x15f: {  	_ = 	snop;
	(pc) =	sbr.rel .LBB2_15-.Ltmp16, $4  }
0x160: {  	_ =	swait.ge [sflag:s10], $0xC000  }
0x161: {  	s26 =	sshra.s32 s26, $0x2;
	[sflag:s10] =	ssyncset.done $0x0;
	s28 =	sshrl.u32 s31, $0x3  }
0x162: {  	s26 =	sadd.s32 $0x7A00, s26;
	[sflag:s10] =	ssyncadd.s32 $0xFFFF4000;
	s28 =	sadd.s32 s5, s28  }
0x163: {  	[tilespmem:s26], [sflag:$0x1] =	stream.linear.gather [hbm4b:s28+s3], $0xC000, $0x38;
	[tilespmem:$0x1FA00] =	vst v63  }
.LBB2_19:
0x164: {  	_ =	sfence.sel $0x180000  }
0x165: {  	[bflag:$0x0] =	sbarrier.arrive $0xFFFF  }
0x166: {  	p0 =	sne.s32 s1, $0x0;
	_ =	strace $0x90000047  }
0x167: {  	s0 =	sadd.s32 @!p0 $0x100000, s0;
	[bflag:$0x2] =	sbarrier.arrive $0xFFFF  }
0x168: {  	[sflag:s0] =	ssyncadd.tile.s32 @!p0 $0x1;
	_ =	shalt  }
.Lfunc_end2:
_tile_overlayer_lowered:
.L_overlay_start_2:
0x169: {  	(tag) =	ssettag $0x2  }
0x16a: {  	s0 =	rddreg [dreg:$0x0];
	s2 =	stileid.u32  }
0x16b: {  	s1 =	rddreg [dreg:$0x1];
	p0 =	sne.s32 s2, $0x0  }
0x16c: {  	s3 =	rddreg [dreg:$0x2];
	[bflag:$0x3] =	sbarrier.arrive $0xFFFF;
	s2 =	simm.s32 @!p0 $0x1C03  }
0x16d: {  	[timem:s3], [sflag:s2] =	dma.local @!p0 [hbm:s0], s1  }
0x16e: {  	s0 =	simm.s32 @!p0 $0x3  }
0x16f: {  	_ =	swait.ge @!p0 [sflag:s0], s1  }
0x170: {  	s1 =	ssub.s32 @!p0 $0x0, s1;
	[sflag:s0] =	ssyncset.done @!p0 $0x0  }
0x171: {  	[sflag:s0] =	ssyncadd.s32 @!p0 s1  }
0x172: {  	[bflag:$0x3] =	sbarrier.arrive $0xFFFF  }
0x173: {  	_ =	shalt  }

</sc_bundles>
